<compile_context>
chip_gen: v7x
topology: tpu7x:2x2x1
jax: 0.10.2.dev20260603
libtpu: 0.0.44.dev20260713+nightly
codegen_flags: <defaults>
</compile_context>

<pallas_src>
import functools

import jax
import jax.numpy as jnp
from jax import lax
from jax.experimental import pallas as pl
from jax.experimental.pallas import tpu as pltpu
from jax.experimental.pallas import tpu_sc as plsc

N_NODES = 10000
D_EDGE = 16
HIDDEN = 16
MSG = 16

_SC_PARAMS = pltpu.CompilerParams(use_tc_tiling_on_sc=False)

NC, NS = 2, 16
NW = NC * NS
ROW = 128
CHUNK_ROWS = 40
CHUNK_EDGES = CHUNK_ROWS * ROW
PACK = 128 // HIDDEN
TILE_W = 1024


def _make_gather(ep):
    rows_per_worker = (ep // ROW) // NW
    n_chunks = rows_per_worker // CHUNK_ROWS
    mesh = plsc.VectorSubcoreMesh(core_axis_name="c", subcore_axis_name="s")

    @functools.partial(
        pl.kernel,
        out_type=jax.ShapeDtypeStruct((ep, HIDDEN), jnp.float32),
        mesh=mesh,
        scratch_types=[
            pltpu.VMEM((CHUNK_ROWS, ROW), jnp.int32),
            pltpu.VMEM((CHUNK_EDGES, HIDDEN), jnp.float32),
            pltpu.VMEM_SHARED((N_NODES, HIDDEN), jnp.float32),
            pltpu.SemaphoreType.DMA,
        ],
        compiler_params=_SC_PARAMS,
    )
    def gather(hidden_hbm, src_hbm, neigh_hbm, idx_v, rows_v, hid_sh, sem):
        cid = lax.axis_index("c")
        sid = lax.axis_index("s")
        wid = sid * NC + cid

        @pl.when(sid == 0)
        def _():
            pltpu.sync_copy(hidden_hbm, hid_sh)

        plsc.subcore_barrier()

        @pl.loop(0, n_chunks)
        def _(ci):
            row0 = wid * rows_per_worker + ci * CHUNK_ROWS

            pltpu.sync_copy(src_hbm.at[pl.ds(row0, CHUNK_ROWS)], idx_v)

            @pl.loop(0, CHUNK_ROWS)
            def _(j):
                pltpu.async_copy(
                    hid_sh.at[idx_v.at[j]],
                    rows_v.at[pl.ds(j * ROW, ROW)],
                    sem,
                )

            pltpu.make_async_copy(
                neigh_hbm.at[pl.ds(0, CHUNK_EDGES)], rows_v, sem
            ).wait()

            pltpu.sync_copy(rows_v, neigh_hbm.at[pl.ds(row0 * ROW, CHUNK_EDGES)])

    return gather


def _make_scatter(ep):
    rows_per_worker = (ep // ROW) // NW
    n_chunks = rows_per_worker // CHUNK_ROWS
    mesh = plsc.VectorSubcoreMesh(core_axis_name="c", subcore_axis_name="s")

    @functools.partial(
        pl.kernel,
        out_type=jax.ShapeDtypeStruct((NC, N_NODES, MSG), jnp.float32),
        mesh=mesh,
        scratch_types=[
            pltpu.VMEM((CHUNK_ROWS, ROW), jnp.int32),
            pltpu.VMEM((CHUNK_EDGES, MSG), jnp.float32),
            pltpu.VMEM_SHARED((N_NODES, MSG), jnp.float32),
            pltpu.SemaphoreType.DMA,
        ],
        compiler_params=_SC_PARAMS,
    )
    def scatter(msg_hbm, tgt_hbm, zero_hbm, out_hbm, idx_v, rows_v, acc_sh, sem):
        cid = lax.axis_index("c")
        sid = lax.axis_index("s")

        @pl.when(sid == 0)
        def _():
            pltpu.sync_copy(zero_hbm, acc_sh)

        plsc.subcore_barrier()

        @pl.loop(0, n_chunks)
        def _(ci):
            row0 = (cid * NS + sid) * rows_per_worker + ci * CHUNK_ROWS

            pltpu.sync_copy(tgt_hbm.at[pl.ds(row0, CHUNK_ROWS)], idx_v)
            pltpu.sync_copy(msg_hbm.at[pl.ds(row0 * ROW, CHUNK_EDGES)], rows_v)

            @pl.loop(0, CHUNK_ROWS)
            def _(j):
                pltpu.sync_copy(
                    rows_v.at[pl.ds(j * ROW, ROW)],
                    acc_sh.at[idx_v.at[j]],
                    add=True,
                )

        plsc.subcore_barrier()

        @pl.when(sid == 0)
        def _():
            pltpu.sync_copy(acc_sh, out_hbm.at[cid])

    return scatter


def _dot(a, b, out_dtype=jnp.float32):
    return lax.dot_general(a, b, (((1,), (0,)), ((), ())),
                           preferred_element_type=out_dtype)


def _mm_body(n_real_wrows, ef_ref, ng_ref, r_ref, s_ref, wr_ref, br_ref,
             out_ref):
    ef = ef_ref[...]
    ng = ng_ref[...].astype(jnp.bfloat16)
    z = (_dot(ef, r_ref[...]).astype(jnp.bfloat16) *
         _dot(ng, s_ref[...]).astype(jnp.bfloat16))
    m = _dot(z, wr_ref[...]) + _dot(ng, br_ref[...])
    row0 = pl.program_id(0) * TILE_W
    rid = row0 + lax.broadcasted_iota(jnp.int32, (TILE_W, 128), 0)
    out_ref[...] = jnp.where(rid < n_real_wrows, m, 0.0)


def _add_body(p_ref, o_ref):
    o_ref[...] = p_ref[0] + p_ref[1]


def _pad_body(n_real_rows, n_pad_rows, s_ref, t_ref, sp_ref, tp_ref):
    zero_tail = jnp.zeros((n_pad_rows, ROW), jnp.int32)
    sp_ref[pl.ds(0, n_real_rows), :] = s_ref[...]
    sp_ref[pl.ds(n_real_rows, n_pad_rows), :] = zero_tail
    tp_ref[pl.ds(0, n_real_rows), :] = t_ref[...]
    tp_ref[pl.ds(n_real_rows, n_pad_rows), :] = zero_tail


def kernel(node_features, edge_features, edge_sources, edge_targets, hidden,
           initial, W, b):
    E = edge_features.shape[0]
    granule = NW * CHUNK_ROWS * ROW
    ep = ((E + granule - 1) // granule) * granule

    n_real_rows = E // ROW
    n_pad_rows = ep // ROW - n_real_rows
    src_r = edge_sources.reshape(n_real_rows, ROW)
    tgt_r = edge_targets.reshape(n_real_rows, ROW)
    src_p, tgt_p = pl.pallas_call(
        functools.partial(_pad_body, n_real_rows, n_pad_rows),
        out_shape=(jax.ShapeDtypeStruct((ep // ROW, ROW), jnp.int32),
                   jax.ShapeDtypeStruct((ep // ROW, ROW), jnp.int32)),
    )(src_r, tgt_r)

    neigh = _make_gather(ep)(hidden, src_p)

    Wr = W.reshape(D_EDGE, MSG, HIDDEN).transpose(0, 2, 1).reshape(
        D_EDGE * HIDDEN, MSG).astype(jnp.bfloat16)
    Br = b.reshape(MSG, HIDDEN).T.astype(jnp.bfloat16)
    R = jnp.repeat(jnp.eye(D_EDGE, dtype=jnp.bfloat16), HIDDEN, axis=1)
    S = jnp.tile(jnp.eye(HIDDEN, dtype=jnp.bfloat16), (1, D_EDGE))
    eye8 = jnp.eye(PACK, dtype=jnp.bfloat16)
    Rb = jnp.kron(eye8, R)
    Sb = jnp.kron(eye8, S)
    Wrb = jnp.kron(eye8, Wr)
    Brb = jnp.kron(eye8, Br)

    n_real_wrows = E // PACK
    ef_w = jnp.concatenate([
        edge_features.astype(jnp.bfloat16).reshape(n_real_wrows, 128),
        jnp.zeros((ep // PACK - n_real_wrows, 128), jnp.bfloat16)])
    neigh_w = neigh.reshape(ep // PACK, 128)
    n_tiles = ep // PACK // TILE_W
    messages = pl.pallas_call(
        functools.partial(_mm_body, n_real_wrows),
        grid=(n_tiles,),
        in_specs=[
            pl.BlockSpec((TILE_W, 128), lambda i: (i, 0)),
            pl.BlockSpec((TILE_W, 128), lambda i: (i, 0)),
            pl.BlockSpec((128, PACK * D_EDGE * HIDDEN), lambda i: (0, 0)),
            pl.BlockSpec((128, PACK * D_EDGE * HIDDEN), lambda i: (0, 0)),
            pl.BlockSpec((PACK * D_EDGE * HIDDEN, 128), lambda i: (0, 0)),
            pl.BlockSpec((128, 128), lambda i: (0, 0)),
        ],
        out_specs=pl.BlockSpec((TILE_W, 128), lambda i: (i, 0)),
        out_shape=jax.ShapeDtypeStruct((ep // PACK, 128), jnp.float32),
    )(ef_w, neigh_w, Rb, Sb, Wrb, Brb)

    zeros = jnp.zeros((N_NODES, MSG), jnp.float32)
    partials = _make_scatter(ep)(messages.reshape(ep, MSG), tgt_p, zeros)

    out = pl.pallas_call(
        _add_body,
        out_shape=jax.ShapeDtypeStruct((N_NODES, MSG), jnp.float32),
    )(partials)
    return out

# --- scband reference (transcript-rebuilt; emitter-appended) ---
"""Pipeline reference for scband-message-layer-41875931136229 (READ-ONLY COPY).

The authoritative reference and input builder live on the scoring server;
editing this copy changes nothing except your own understanding.
"""

import jax, jax.numpy as jnp
import numpy as np

N_NODES = 10000
N_EDGES = 320000
D_NODE = 128
D_EDGE = 16
HIDDEN = 16
MSG = 16


def setup_inputs(seed: int = 0) -> dict:
    key = jax.random.key(seed)
    k1, k2, k3, k4, k5, k6, k7, k8 = jax.random.split(key, 8)
    node_features = jax.random.normal(k1, (N_NODES, D_NODE), dtype=jnp.float32)
    edge_features = jax.random.normal(k2, (N_EDGES, D_EDGE), dtype=jnp.float32)
    edge_sources = jax.random.randint(k3, (N_EDGES,), 0, N_NODES, dtype=jnp.int64 if jax.config.jax_enable_x64 else jnp.int32).astype(jnp.int32)
    edge_targets = jax.random.randint(k4, (N_EDGES,), 0, N_NODES, dtype=jnp.int64 if jax.config.jax_enable_x64 else jnp.int32).astype(jnp.int32)
    hidden = jax.random.normal(k5, (N_NODES, HIDDEN), dtype=jnp.float32)
    initial = jax.random.normal(k6, (N_NODES, HIDDEN), dtype=jnp.float32)
    # Dense(message_size * hidden_state_size) parameters (glorot-ish init)
    W = jax.random.normal(k7, (D_EDGE, MSG * HIDDEN), dtype=jnp.float32) * (1.0 / np.sqrt(D_EDGE))
    b = jnp.zeros((MSG * HIDDEN,), dtype=jnp.float32)
    return {
        'node_features': node_features,
        'edge_features': edge_features,
        'edge_sources': edge_sources,
        'edge_targets': edge_targets,
        'hidden': hidden,
        'initial': initial,
        'W': W,
        'b': b,
    }


def reference(node_features, edge_features, edge_sources, edge_targets, hidden, initial, W, b):
    # Per edge e (src s, tgt t):
    #   A_e = reshape(edge_net(edge_features[e]), (MSG, HIDDEN))
    #   m_e = A_e @ hidden[s]
    # out[t] = sum over edges with target t of m_e  (aggregation = reduce_sum axis=0)
    E = edge_features.shape[0]
    N = hidden.shape[0]
    edge_mats = (edge_features @ W + b).reshape(E, MSG, HIDDEN)
    neighbours = jnp.take(hidden, edge_sources, axis=0)  # gather [E, HIDDEN]
    messages = jnp.einsum('emh,eh->em', edge_mats, neighbours)  # [E, MSG]
    out = jax.ops.segment_sum(messages, edge_targets, num_segments=N)  # scatter-add [N, MSG]
    return out

if __name__ == "__main__":
    import jax
    _d = setup_inputs()
    print(jax.jit(kernel)(*tuple(_d.values())))

</pallas_src>

<mosaic_0001>
#map = affine_map<(d0, d1) -> (0, 0)>
module attributes {stable_mosaic.version = 14 : i64} {
  func.func @gather(%arg0: i32, %arg1: i32, %arg2: memref<10000x16xf32, #tpu.memory_space<hbm>>, %arg3: memref<2560x128xi32, #tpu.memory_space<hbm>>, %arg4: memref<327680x16xf32, #tpu.memory_space<hbm>>, %arg5: memref<40x128xi32, #tpu.memory_space<vmem>>, %arg6: memref<5120x16xf32, #tpu.memory_space<vmem>>, %arg7: memref<10000x16xf32, #tpu.memory_space<vmem_shared>>, %arg8: memref<!tpu.dma_semaphore, #tpu.memory_space<semaphore_mem>>) attributes {dimension_semantics = [#tpu.dimension_semantics<core_parallel>, #tpu.dimension_semantics<subcore_parallel>], iteration_bounds = array<i64: 2, 16>, scalar_prefetch = 0 : i64, scratch_operands = 4 : i64, tpu.core_type = #tpu.core_type<sc_vector_subcore>, window_params = [{transform_indices = #map}, {transform_indices = #map}, {transform_indices = #map}]} {
    %mul3A = arith.constant 2 : i32
    %mul3A_0 = arith.muli %arg1, %mul3A : i32
    %add3A = arith.addi %mul3A_0, %arg0 : i32
    %eq3A = arith.constant 0 : i32
    %eq3A_1 = arith.cmpi eq, %arg1, %eq3A : i32
    %convert_element_type3A = arith.extui %eq3A_1 : i1 to i32
    %cond3A = arith.constant 0 : i32
    %cond3A_2 = arith.cmpi ne, %convert_element_type3A, %cond3A : i32
    scf.if %cond3A_2 {
      "tpu.region"() ({
        %run_scoped3A = tpu.sem_alloc : memref<!tpu.dma_semaphore, #tpu.memory_space<semaphore_mem>>
        tpu.enqueue_dma source(%arg2 : memref<10000x16xf32, #tpu.memory_space<hbm>>) target(%arg7 : memref<10000x16xf32, #tpu.memory_space<vmem_shared>>) target_semaphore(%run_scoped3A : memref<!tpu.dma_semaphore, #tpu.memory_space<semaphore_mem>>)
        tpu.wait_dma2 semaphore(%run_scoped3A : memref<!tpu.dma_semaphore, #tpu.memory_space<semaphore_mem>>) src(%arg2 : memref<10000x16xf32, #tpu.memory_space<hbm>>) dst(%arg7 : memref<10000x16xf32, #tpu.memory_space<vmem_shared>>)
        tpu.yield
      }) : () -> ()
    } else {
    }
    %barrier3A = arith.constant 0 : index
    tpu.barrier barrier_id(%barrier3A)
    %scan3A = arith.constant 0 : i32
    %scan3A_3 = arith.constant 2 : i32
    %scan3A_4 = arith.addi %scan3A, %scan3A_3 : i32
    %scan3A_5 = arith.constant 1 : i32
    scf.for %scan3A_7 = %scan3A to %scan3A_4 step %scan3A_5  : i32 {
      %mul3A_8 = arith.constant 1 : i32
      %mul3A_9 = arith.muli %scan3A_7, %mul3A_8 : i32
      %add3A_10 = arith.constant 0 : i32
      %add3A_11 = arith.addi %add3A_10, %mul3A_9 : i32
      %mul3A_12 = arith.constant 80 : i32
      %mul3A_13 = arith.muli %add3A, %mul3A_12 : i32
      %mul3A_14 = arith.constant 40 : i32
      %mul3A_15 = arith.muli %add3A_11, %mul3A_14 : i32
      %add3A_16 = arith.addi %mul3A_13, %mul3A_15 : i32
      "tpu.region"() ({
        %run_scoped3A = tpu.sem_alloc : memref<!tpu.dma_semaphore, #tpu.memory_space<semaphore_mem>>
        %dma_start3A = arith.constant 0 : i32
        %dma_start3A_29 = tpu.memref_slice %arg3[%add3A_16, %dma_start3A] : memref<2560x128xi32, #tpu.memory_space<hbm>> -> memref<40x128xi32, #tpu.memory_space<hbm>>
        %dma_start3A_30 = arith.constant 0 : i32
        %dma_start3A_31 = tpu.memref_slice %arg3[%add3A_16, %dma_start3A_30] : memref<2560x128xi32, #tpu.memory_space<hbm>> -> memref<40x128xi32, #tpu.memory_space<hbm>>
        tpu.enqueue_dma source(%dma_start3A_31 : memref<40x128xi32, #tpu.memory_space<hbm>>) target(%arg5 : memref<40x128xi32, #tpu.memory_space<vmem>>) target_semaphore(%run_scoped3A : memref<!tpu.dma_semaphore, #tpu.memory_space<semaphore_mem>>)
        %dma_wait3A_32 = arith.constant 0 : i32
        %dma_wait3A_33 = tpu.memref_slice %arg3[%add3A_16, %dma_wait3A_32] : memref<2560x128xi32, #tpu.memory_space<hbm>> -> memref<40x128xi32, #tpu.memory_space<hbm>>
        %dma_wait3A_34 = arith.constant 0 : i32
        %dma_wait3A_35 = tpu.memref_slice %arg3[%add3A_16, %dma_wait3A_34] : memref<2560x128xi32, #tpu.memory_space<hbm>> -> memref<40x128xi32, #tpu.memory_space<hbm>>
        tpu.wait_dma2 semaphore(%run_scoped3A : memref<!tpu.dma_semaphore, #tpu.memory_space<semaphore_mem>>) src(%dma_wait3A_35 : memref<40x128xi32, #tpu.memory_space<hbm>>) dst(%arg5 : memref<40x128xi32, #tpu.memory_space<vmem>>)
        tpu.yield
      }) : () -> ()
      %scan3A_17 = arith.constant 0 : i32
      %scan3A_18 = arith.constant 40 : i32
      %scan3A_19 = arith.addi %scan3A_17, %scan3A_18 : i32
      %scan3A_20 = arith.constant 1 : i32
      scf.for %scan3A_29 = %scan3A_17 to %scan3A_19 step %scan3A_20  : i32 {
        %mul3A_30 = arith.constant 1 : i32
        %mul3A_31 = arith.muli %scan3A_29, %mul3A_30 : i32
        %add3A_32 = arith.constant 0 : i32
        %add3A_33 = arith.addi %add3A_32, %mul3A_31 : i32
        %mul3A_34 = arith.constant 128 : i32
        %mul3A_35 = arith.muli %add3A_33, %mul3A_34 : i32
        %dma_start3A = arith.constant 0 : i32
        %dma_start3A_36 = tpu.memref_slice %arg6[%mul3A_35, %dma_start3A] : memref<5120x16xf32, #tpu.memory_space<vmem>> -> memref<128x16xf32, #tpu.memory_space<vmem>>
        %dma_start3A_37 = arith.constant 0 : i32
        %dma_start3A_38 = tpu.memref_slice %arg5[%add3A_33, %dma_start3A_37] : memref<40x128xi32, #tpu.memory_space<vmem>> -> memref<1x128xi32, #tpu.memory_space<vmem>>
        %dma_start3A_39 = tpu.memref_squeeze %dma_start3A_38 : memref<1x128xi32, #tpu.memory_space<vmem>> -> memref<128xi32, #tpu.memory_space<vmem>>
        %dma_start3A_40 = arith.constant 0 : i32
        %dma_start3A_41 = arith.constant 0 : i32
        %dma_start3A_42 = tpu.memref_slice %arg7[%dma_start3A_40, %dma_start3A_41] : memref<10000x16xf32, #tpu.memory_space<vmem_shared>> -> memref<10000x16xf32, #tpu.memory_space<vmem_shared>>
        tpu.enqueue_indirect_dma source(%dma_start3A_42 : memref<10000x16xf32, #tpu.memory_space<vmem_shared>>) target(%dma_start3A_36 : memref<128x16xf32, #tpu.memory_space<vmem>>) offsets(%dma_start3A_39 : memref<128xi32, #tpu.memory_space<vmem>>) semaphore(%arg8 : memref<!tpu.dma_semaphore, #tpu.memory_space<semaphore_mem>>)
      }
      %scan3A_21 = arith.constant 40 : i32
      %dma_wait3A = arith.constant 0 : i32
      %dma_wait3A_22 = arith.constant 0 : i32
      %dma_wait3A_23 = tpu.memref_slice %arg4[%dma_wait3A, %dma_wait3A_22] : memref<327680x16xf32, #tpu.memory_space<hbm>> -> memref<5120x16xf32, #tpu.memory_space<hbm>>
      %dma_wait3A_24 = arith.constant 0 : i32
      %dma_wait3A_25 = arith.constant 0 : i32
      %dma_wait3A_26 = tpu.memref_slice %arg4[%dma_wait3A_24, %dma_wait3A_25] : memref<327680x16xf32, #tpu.memory_space<hbm>> -> memref<5120x16xf32, #tpu.memory_space<hbm>>
      tpu.wait_dma2 semaphore(%arg8 : memref<!tpu.dma_semaphore, #tpu.memory_space<semaphore_mem>>) src(%dma_wait3A_26 : memref<5120x16xf32, #tpu.memory_space<hbm>>) dst(%arg6 : memref<5120x16xf32, #tpu.memory_space<vmem>>)
      %mul3A_27 = arith.constant 128 : i32
      %mul3A_28 = arith.muli %add3A_16, %mul3A_27 : i32
      "tpu.region"() ({
        %run_scoped3A = tpu.sem_alloc : memref<!tpu.dma_semaphore, #tpu.memory_space<semaphore_mem>>
        %dma_start3A = arith.constant 0 : i32
        %dma_start3A_29 = tpu.memref_slice %arg4[%mul3A_28, %dma_start3A] : memref<327680x16xf32, #tpu.memory_space<hbm>> -> memref<5120x16xf32, #tpu.memory_space<hbm>>
        %dma_start3A_30 = arith.constant 0 : i32
        %dma_start3A_31 = tpu.memref_slice %arg4[%mul3A_28, %dma_start3A_30] : memref<327680x16xf32, #tpu.memory_space<hbm>> -> memref<5120x16xf32, #tpu.memory_space<hbm>>
        tpu.enqueue_dma source(%arg6 : memref<5120x16xf32, #tpu.memory_space<vmem>>) target(%dma_start3A_31 : memref<5120x16xf32, #tpu.memory_space<hbm>>) target_semaphore(%run_scoped3A : memref<!tpu.dma_semaphore, #tpu.memory_space<semaphore_mem>>)
        %dma_wait3A_32 = arith.constant 0 : i32
        %dma_wait3A_33 = tpu.memref_slice %arg4[%mul3A_28, %dma_wait3A_32] : memref<327680x16xf32, #tpu.memory_space<hbm>> -> memref<5120x16xf32, #tpu.memory_space<hbm>>
        %dma_wait3A_34 = arith.constant 0 : i32
        %dma_wait3A_35 = tpu.memref_slice %arg4[%mul3A_28, %dma_wait3A_34] : memref<327680x16xf32, #tpu.memory_space<hbm>> -> memref<5120x16xf32, #tpu.memory_space<hbm>>
        tpu.wait_dma2 semaphore(%run_scoped3A : memref<!tpu.dma_semaphore, #tpu.memory_space<semaphore_mem>>) src(%arg6 : memref<5120x16xf32, #tpu.memory_space<vmem>>) dst(%dma_wait3A_35 : memref<5120x16xf32, #tpu.memory_space<hbm>>)
        tpu.yield
      }) : () -> ()
    }
    %scan3A_6 = arith.constant 2 : i32
    return
  }
}

#map = affine_map<(d0, d1) -> (0, 0)>
#map1 = affine_map<(d0, d1) -> (0, 0, 0)>
module attributes {stable_mosaic.version = 14 : i64} {
  func.func @scatter(%arg0: i32, %arg1: i32, %arg2: memref<327680x16xf32, #tpu.memory_space<hbm>>, %arg3: memref<2560x128xi32, #tpu.memory_space<hbm>>, %arg4: memref<10000x16xf32, #tpu.memory_space<hbm>>, %arg5: memref<2x10000x16xf32, #tpu.memory_space<hbm>>, %arg6: memref<40x128xi32, #tpu.memory_space<vmem>>, %arg7: memref<5120x16xf32, #tpu.memory_space<vmem>>, %arg8: memref<10000x16xf32, #tpu.memory_space<vmem_shared>>, %arg9: memref<!tpu.dma_semaphore, #tpu.memory_space<semaphore_mem>>) attributes {dimension_semantics = [#tpu.dimension_semantics<core_parallel>, #tpu.dimension_semantics<subcore_parallel>], iteration_bounds = array<i64: 2, 16>, scalar_prefetch = 0 : i64, scratch_operands = 4 : i64, tpu.core_type = #tpu.core_type<sc_vector_subcore>, window_params = [{transform_indices = #map}, {transform_indices = #map}, {transform_indices = #map}, {transform_indices = #map1}]} {
    %eq3A = arith.constant 0 : i32
    %eq3A_0 = arith.cmpi eq, %arg1, %eq3A : i32
    %convert_element_type3A = arith.extui %eq3A_0 : i1 to i32
    %cond3A = arith.constant 0 : i32
    %cond3A_1 = arith.cmpi ne, %convert_element_type3A, %cond3A : i32
    scf.if %cond3A_1 {
      "tpu.region"() ({
        %run_scoped3A = tpu.sem_alloc : memref<!tpu.dma_semaphore, #tpu.memory_space<semaphore_mem>>
        tpu.enqueue_dma source(%arg4 : memref<10000x16xf32, #tpu.memory_space<hbm>>) target(%arg8 : memref<10000x16xf32, #tpu.memory_space<vmem_shared>>) target_semaphore(%run_scoped3A : memref<!tpu.dma_semaphore, #tpu.memory_space<semaphore_mem>>)
        tpu.wait_dma2 semaphore(%run_scoped3A : memref<!tpu.dma_semaphore, #tpu.memory_space<semaphore_mem>>) src(%arg4 : memref<10000x16xf32, #tpu.memory_space<hbm>>) dst(%arg8 : memref<10000x16xf32, #tpu.memory_space<vmem_shared>>)
        tpu.yield
      }) : () -> ()
    } else {
    }
    %barrier3A = arith.constant 0 : index
    tpu.barrier barrier_id(%barrier3A)
    %scan3A = arith.constant 0 : i32
    %scan3A_2 = arith.constant 2 : i32
    %scan3A_3 = arith.addi %scan3A, %scan3A_2 : i32
    %scan3A_4 = arith.constant 1 : i32
    scf.for %scan3A_12 = %scan3A to %scan3A_3 step %scan3A_4  : i32 {
      %mul3A = arith.constant 1 : i32
      %mul3A_13 = arith.muli %scan3A_12, %mul3A : i32
      %add3A = arith.constant 0 : i32
      %add3A_14 = arith.addi %add3A, %mul3A_13 : i32
      %mul3A_15 = arith.constant 16 : i32
      %mul3A_16 = arith.muli %arg0, %mul3A_15 : i32
      %add3A_17 = arith.addi %mul3A_16, %arg1 : i32
      %mul3A_18 = arith.constant 80 : i32
      %mul3A_19 = arith.muli %add3A_17, %mul3A_18 : i32
      %mul3A_20 = arith.constant 40 : i32
      %mul3A_21 = arith.muli %add3A_14, %mul3A_20 : i32
      %add3A_22 = arith.addi %mul3A_19, %mul3A_21 : i32
      "tpu.region"() ({
        %run_scoped3A = tpu.sem_alloc : memref<!tpu.dma_semaphore, #tpu.memory_space<semaphore_mem>>
        %dma_start3A = arith.constant 0 : i32
        %dma_start3A_30 = tpu.memref_slice %arg3[%add3A_22, %dma_start3A] : memref<2560x128xi32, #tpu.memory_space<hbm>> -> memref<40x128xi32, #tpu.memory_space<hbm>>
        %dma_start3A_31 = arith.constant 0 : i32
        %dma_start3A_32 = tpu.memref_slice %arg3[%add3A_22, %dma_start3A_31] : memref<2560x128xi32, #tpu.memory_space<hbm>> -> memref<40x128xi32, #tpu.memory_space<hbm>>
        tpu.enqueue_dma source(%dma_start3A_32 : memref<40x128xi32, #tpu.memory_space<hbm>>) target(%arg6 : memref<40x128xi32, #tpu.memory_space<vmem>>) target_semaphore(%run_scoped3A : memref<!tpu.dma_semaphore, #tpu.memory_space<semaphore_mem>>)
        %dma_wait3A = arith.constant 0 : i32
        %dma_wait3A_33 = tpu.memref_slice %arg3[%add3A_22, %dma_wait3A] : memref<2560x128xi32, #tpu.memory_space<hbm>> -> memref<40x128xi32, #tpu.memory_space<hbm>>
        %dma_wait3A_34 = arith.constant 0 : i32
        %dma_wait3A_35 = tpu.memref_slice %arg3[%add3A_22, %dma_wait3A_34] : memref<2560x128xi32, #tpu.memory_space<hbm>> -> memref<40x128xi32, #tpu.memory_space<hbm>>
        tpu.wait_dma2 semaphore(%run_scoped3A : memref<!tpu.dma_semaphore, #tpu.memory_space<semaphore_mem>>) src(%dma_wait3A_35 : memref<40x128xi32, #tpu.memory_space<hbm>>) dst(%arg6 : memref<40x128xi32, #tpu.memory_space<vmem>>)
        tpu.yield
      }) : () -> ()
      %mul3A_23 = arith.constant 128 : i32
      %mul3A_24 = arith.muli %add3A_22, %mul3A_23 : i32
      "tpu.region"() ({
        %run_scoped3A = tpu.sem_alloc : memref<!tpu.dma_semaphore, #tpu.memory_space<semaphore_mem>>
        %dma_start3A = arith.constant 0 : i32
        %dma_start3A_30 = tpu.memref_slice %arg2[%mul3A_24, %dma_start3A] : memref<327680x16xf32, #tpu.memory_space<hbm>> -> memref<5120x16xf32, #tpu.memory_space<hbm>>
        %dma_start3A_31 = arith.constant 0 : i32
        %dma_start3A_32 = tpu.memref_slice %arg2[%mul3A_24, %dma_start3A_31] : memref<327680x16xf32, #tpu.memory_space<hbm>> -> memref<5120x16xf32, #tpu.memory_space<hbm>>
        tpu.enqueue_dma source(%dma_start3A_32 : memref<5120x16xf32, #tpu.memory_space<hbm>>) target(%arg7 : memref<5120x16xf32, #tpu.memory_space<vmem>>) target_semaphore(%run_scoped3A : memref<!tpu.dma_semaphore, #tpu.memory_space<semaphore_mem>>)
        %dma_wait3A = arith.constant 0 : i32
        %dma_wait3A_33 = tpu.memref_slice %arg2[%mul3A_24, %dma_wait3A] : memref<327680x16xf32, #tpu.memory_space<hbm>> -> memref<5120x16xf32, #tpu.memory_space<hbm>>
        %dma_wait3A_34 = arith.constant 0 : i32
        %dma_wait3A_35 = tpu.memref_slice %arg2[%mul3A_24, %dma_wait3A_34] : memref<327680x16xf32, #tpu.memory_space<hbm>> -> memref<5120x16xf32, #tpu.memory_space<hbm>>
        tpu.wait_dma2 semaphore(%run_scoped3A : memref<!tpu.dma_semaphore, #tpu.memory_space<semaphore_mem>>) src(%dma_wait3A_35 : memref<5120x16xf32, #tpu.memory_space<hbm>>) dst(%arg7 : memref<5120x16xf32, #tpu.memory_space<vmem>>)
        tpu.yield
      }) : () -> ()
      %scan3A_25 = arith.constant 0 : i32
      %scan3A_26 = arith.constant 40 : i32
      %scan3A_27 = arith.addi %scan3A_25, %scan3A_26 : i32
      %scan3A_28 = arith.constant 1 : i32
      scf.for %scan3A_30 = %scan3A_25 to %scan3A_27 step %scan3A_28  : i32 {
        %mul3A_31 = arith.constant 1 : i32
        %mul3A_32 = arith.muli %scan3A_30, %mul3A_31 : i32
        %add3A_33 = arith.constant 0 : i32
        %add3A_34 = arith.addi %add3A_33, %mul3A_32 : i32
        %mul3A_35 = arith.constant 128 : i32
        %mul3A_36 = arith.muli %add3A_34, %mul3A_35 : i32
        "tpu.region"() ({
          %run_scoped3A = tpu.sem_alloc : memref<!tpu.dma_semaphore, #tpu.memory_space<semaphore_mem>>
          %dma_start3A = arith.constant 0 : i32
          %dma_start3A_37 = tpu.memref_slice %arg7[%mul3A_36, %dma_start3A] : memref<5120x16xf32, #tpu.memory_space<vmem>> -> memref<128x16xf32, #tpu.memory_space<vmem>>
          %dma_start3A_38 = arith.constant 0 : i32
          %dma_start3A_39 = tpu.memref_slice %arg6[%add3A_34, %dma_start3A_38] : memref<40x128xi32, #tpu.memory_space<vmem>> -> memref<1x128xi32, #tpu.memory_space<vmem>>
          %dma_start3A_40 = tpu.memref_squeeze %dma_start3A_39 : memref<1x128xi32, #tpu.memory_space<vmem>> -> memref<128xi32, #tpu.memory_space<vmem>>
          %dma_start3A_41 = arith.constant 0 : i32
          %dma_start3A_42 = arith.constant 0 : i32
          %dma_start3A_43 = tpu.memref_slice %arg8[%dma_start3A_41, %dma_start3A_42] : memref<10000x16xf32, #tpu.memory_space<vmem_shared>> -> memref<10000x16xf32, #tpu.memory_space<vmem_shared>>
          tpu.enqueue_indirect_dma source(%dma_start3A_37 : memref<128x16xf32, #tpu.memory_space<vmem>>) target(%dma_start3A_43 : memref<10000x16xf32, #tpu.memory_space<vmem_shared>>) offsets(%dma_start3A_40 : memref<128xi32, #tpu.memory_space<vmem>>) semaphore(%run_scoped3A : memref<!tpu.dma_semaphore, #tpu.memory_space<semaphore_mem>>) {add = true}
          %dma_wait3A = arith.constant 0 : i32
          %dma_wait3A_44 = tpu.memref_slice %arg7[%mul3A_36, %dma_wait3A] : memref<5120x16xf32, #tpu.memory_space<vmem>> -> memref<128x16xf32, #tpu.memory_space<vmem>>
          %dma_wait3A_45 = arith.constant 0 : i32
          %dma_wait3A_46 = tpu.memref_slice %arg6[%add3A_34, %dma_wait3A_45] : memref<40x128xi32, #tpu.memory_space<vmem>> -> memref<1x128xi32, #tpu.memory_space<vmem>>
          %dma_wait3A_47 = tpu.memref_squeeze %dma_wait3A_46 : memref<1x128xi32, #tpu.memory_space<vmem>> -> memref<128xi32, #tpu.memory_space<vmem>>
          %dma_wait3A_48 = arith.constant 0 : i32
          %dma_wait3A_49 = arith.constant 0 : i32
          %dma_wait3A_50 = tpu.memref_slice %arg8[%dma_wait3A_48, %dma_wait3A_49] : memref<10000x16xf32, #tpu.memory_space<vmem_shared>> -> memref<10000x16xf32, #tpu.memory_space<vmem_shared>>
          tpu.wait_indirect_dma semaphore(%run_scoped3A : memref<!tpu.dma_semaphore, #tpu.memory_space<semaphore_mem>>) src(%dma_wait3A_44 : memref<128x16xf32, #tpu.memory_space<vmem>>) dst(%dma_wait3A_50 : memref<10000x16xf32, #tpu.memory_space<vmem_shared>>)
          tpu.yield
        }) : () -> ()
      }
      %scan3A_29 = arith.constant 40 : i32
    }
    %scan3A_5 = arith.constant 2 : i32
    %barrier3A_6 = arith.constant 0 : index
    tpu.barrier barrier_id(%barrier3A_6)
    %eq3A_7 = arith.constant 0 : i32
    %eq3A_8 = arith.cmpi eq, %arg1, %eq3A_7 : i32
    %convert_element_type3A_9 = arith.extui %eq3A_8 : i1 to i32
    %cond3A_10 = arith.constant 0 : i32
    %cond3A_11 = arith.cmpi ne, %convert_element_type3A_9, %cond3A_10 : i32
    scf.if %cond3A_11 {
      "tpu.region"() ({
        %run_scoped3A = tpu.sem_alloc : memref<!tpu.dma_semaphore, #tpu.memory_space<semaphore_mem>>
        %dma_start3A = arith.constant 0 : i32
        %dma_start3A_12 = arith.constant 0 : i32
        %dma_start3A_13 = tpu.memref_slice %arg5[%arg0, %dma_start3A, %dma_start3A_12] : memref<2x10000x16xf32, #tpu.memory_space<hbm>> -> memref<1x10000x16xf32, #tpu.memory_space<hbm>>
        %dma_start3A_14 = tpu.memref_squeeze %dma_start3A_13 : memref<1x10000x16xf32, #tpu.memory_space<hbm>> -> memref<10000x16xf32, #tpu.memory_space<hbm>>
        tpu.enqueue_dma source(%arg8 : memref<10000x16xf32, #tpu.memory_space<vmem_shared>>) target(%dma_start3A_14 : memref<10000x16xf32, #tpu.memory_space<hbm>>) target_semaphore(%run_scoped3A : memref<!tpu.dma_semaphore, #tpu.memory_space<semaphore_mem>>)
        %dma_wait3A = arith.constant 0 : i32
        %dma_wait3A_15 = arith.constant 0 : i32
        %dma_wait3A_16 = tpu.memref_slice %arg5[%arg0, %dma_wait3A, %dma_wait3A_15] : memref<2x10000x16xf32, #tpu.memory_space<hbm>> -> memref<1x10000x16xf32, #tpu.memory_space<hbm>>
        %dma_wait3A_17 = tpu.memref_squeeze %dma_wait3A_16 : memref<1x10000x16xf32, #tpu.memory_space<hbm>> -> memref<10000x16xf32, #tpu.memory_space<hbm>>
        tpu.wait_dma2 semaphore(%run_scoped3A : memref<!tpu.dma_semaphore, #tpu.memory_space<semaphore_mem>>) src(%arg8 : memref<10000x16xf32, #tpu.memory_space<vmem_shared>>) dst(%dma_wait3A_17 : memref<10000x16xf32, #tpu.memory_space<hbm>>)
        tpu.yield
      }) : () -> ()
    } else {
    }
    return
  }
}

module attributes {stable_mosaic.version = 14 : i64} {
  func.func @_pad_body(%arg0: memref<2500x128xi32, #tpu.memory_space<vmem>>, %arg1: memref<2500x128xi32, #tpu.memory_space<vmem>>, %arg2: memref<2560x128xi32, #tpu.memory_space<vmem>>, %arg3: memref<2560x128xi32, #tpu.memory_space<vmem>>) attributes {dimension_semantics = [], scalar_prefetch = 0 : i64, scratch_operands = 0 : i64, tpu.core_type = #tpu.core_type<tc>} {
    %broadcast_in_dim3A = arith.constant 0 : i32
    %broadcast_in_dim3A_0 = vector.broadcast %broadcast_in_dim3A : i32 to vector<60x128xi32>
    %get3A = arith.constant 0 : index
    %get3A_1 = arith.constant 0 : index
    %get3A_2 = vector.load %arg0[%get3A, %get3A_1] : memref<2500x128xi32, #tpu.memory_space<vmem>>, vector<2500x128xi32>
    %swap3A = arith.constant 0 : index
    %swap3A_3 = arith.constant 0 : index
    %swap3A_4 = vector.load %arg2[%swap3A, %swap3A_3] : memref<2560x128xi32, #tpu.memory_space<vmem>>, vector<2500x128xi32>
    tpu.vector_store %arg2[%swap3A, %swap3A_3], %get3A_2 {strides = array<i32>} : memref<2560x128xi32, #tpu.memory_space<vmem>>, vector<2500x128xi32>,
    %swap3A_5 = arith.constant 2500 : index
    %swap3A_6 = arith.constant 0 : index
    %swap3A_7 = vector.load %arg2[%swap3A_5, %swap3A_6] : memref<2560x128xi32, #tpu.memory_space<vmem>>, vector<60x128xi32>
    tpu.vector_store %arg2[%swap3A_5, %swap3A_6], %broadcast_in_dim3A_0 {strides = array<i32>} : memref<2560x128xi32, #tpu.memory_space<vmem>>, vector<60x128xi32>,
    %get3A_8 = arith.constant 0 : index
    %get3A_9 = arith.constant 0 : index
    %get3A_10 = vector.load %arg1[%get3A_8, %get3A_9] : memref<2500x128xi32, #tpu.memory_space<vmem>>, vector<2500x128xi32>
    %swap3A_11 = arith.constant 0 : index
    %swap3A_12 = arith.constant 0 : index
    %swap3A_13 = vector.load %arg3[%swap3A_11, %swap3A_12] : memref<2560x128xi32, #tpu.memory_space<vmem>>, vector<2500x128xi32>
    tpu.vector_store %arg3[%swap3A_11, %swap3A_12], %get3A_10 {strides = array<i32>} : memref<2560x128xi32, #tpu.memory_space<vmem>>, vector<2500x128xi32>,
    %swap3A_14 = arith.constant 2500 : index
    %swap3A_15 = arith.constant 0 : index
    %swap3A_16 = vector.load %arg3[%swap3A_14, %swap3A_15] : memref<2560x128xi32, #tpu.memory_space<vmem>>, vector<60x128xi32>
    tpu.vector_store %arg3[%swap3A_14, %swap3A_15], %broadcast_in_dim3A_0 {strides = array<i32>} : memref<2560x128xi32, #tpu.memory_space<vmem>>, vector<60x128xi32>,
    return
  }
}

module attributes {stable_mosaic.version = 14 : i64} {
  func.func @_mm_body(%arg0: i32, %arg1: memref<1024x128xbf16, #tpu.memory_space<vmem>>, %arg2: memref<1024x128xf32, #tpu.memory_space<vmem>>, %arg3: memref<128x2048xbf16, #tpu.memory_space<vmem>>, %arg4: memref<128x2048xbf16, #tpu.memory_space<vmem>>, %arg5: memref<2048x128xbf16, #tpu.memory_space<vmem>>, %arg6: memref<128x128xbf16, #tpu.memory_space<vmem>>, %arg7: memref<1024x128xf32, #tpu.memory_space<vmem>>) attributes {dimension_semantics = [#tpu.dimension_semantics<arbitrary>], iteration_bounds = array<i64: 40>, scalar_prefetch = 0 : i64, scratch_operands = 0 : i64, tpu.core_type = #tpu.core_type<tc>, window_params = [{transform_indices = @transform_0, window_bounds = array<i64: 1024, 128>}, {transform_indices = @transform_1, window_bounds = array<i64: 1024, 128>}, {pipeline_mode = #tpu.pipeline_mode<synchronous>, transform_indices = @transform_2, window_bounds = array<i64: 128, 2048>}, {pipeline_mode = #tpu.pipeline_mode<synchronous>, transform_indices = @transform_3, window_bounds = array<i64: 128, 2048>}, {pipeline_mode = #tpu.pipeline_mode<synchronous>, transform_indices = @transform_4, window_bounds = array<i64: 2048, 128>}, {pipeline_mode = #tpu.pipeline_mode<synchronous>, transform_indices = @transform_5, window_bounds = array<i64: 128, 128>}, {transform_indices = @transform_6, window_bounds = array<i64: 1024, 128>}]} {
    %get3A = arith.constant 0 : index
    %get3A_0 = arith.constant 0 : index
    %get3A_1 = vector.load %arg1[%get3A, %get3A_0] : memref<1024x128xbf16, #tpu.memory_space<vmem>>, vector<1024x128xbf16>
    %get3A_2 = arith.constant 0 : index
    %get3A_3 = arith.constant 0 : index
    %get3A_4 = vector.load %arg2[%get3A_2, %get3A_3] : memref<1024x128xf32, #tpu.memory_space<vmem>>, vector<1024x128xf32>
    %convert_element_type3A = arith.truncf %get3A_4 : vector<1024x128xf32> to vector<1024x128xbf16>
    %get3A_5 = arith.constant 0 : index
    %get3A_6 = arith.constant 0 : index
    %get3A_7 = vector.load %arg3[%get3A_5, %get3A_6] : memref<128x2048xbf16, #tpu.memory_space<vmem>>, vector<128x2048xbf16>
    %dot_general3A = arith.constant dense<0.000000e+00> : vector<1024x2048xf32>
    %dot_general3A_8 = tpu.matmul %get3A_1, %get3A_7, %dot_general3A {dimension_numbers = #tpu.dot_dimension_numbers<[1], [0], [0], [1], [0, 0, 1, 1], [], []>, transpose_lhs_hint = false} : vector<1024x128xbf16>, vector<128x2048xbf16>, vector<1024x2048xf32> -> vector<1024x2048xf32>
    %convert_element_type3A_9 = arith.truncf %dot_general3A_8 : vector<1024x2048xf32> to vector<1024x2048xbf16>
    %get3A_10 = arith.constant 0 : index
    %get3A_11 = arith.constant 0 : index
    %get3A_12 = vector.load %arg4[%get3A_10, %get3A_11] : memref<128x2048xbf16, #tpu.memory_space<vmem>>, vector<128x2048xbf16>
    %dot_general3A_13 = arith.constant dense<0.000000e+00> : vector<1024x2048xf32>
    %dot_general3A_14 = tpu.matmul %convert_element_type3A, %get3A_12, %dot_general3A_13 {dimension_numbers = #tpu.dot_dimension_numbers<[1], [0], [0], [1], [0, 0, 1, 1], [], []>, transpose_lhs_hint = false} : vector<1024x128xbf16>, vector<128x2048xbf16>, vector<1024x2048xf32> -> vector<1024x2048xf32>
    %convert_element_type3A_15 = arith.truncf %dot_general3A_14 : vector<1024x2048xf32> to vector<1024x2048xbf16>
    %mul3A = arith.mulf %convert_element_type3A_9, %convert_element_type3A_15 : vector<1024x2048xbf16>
    %get3A_16 = arith.constant 0 : index
    %get3A_17 = arith.constant 0 : index
    %get3A_18 = vector.load %arg5[%get3A_16, %get3A_17] : memref<2048x128xbf16, #tpu.memory_space<vmem>>, vector<2048x128xbf16>
    %dot_general3A_19 = arith.constant dense<0.000000e+00> : vector<1024x128xf32>
    %dot_general3A_20 = tpu.matmul %mul3A, %get3A_18, %dot_general3A_19 {dimension_numbers = #tpu.dot_dimension_numbers<[1], [0], [0], [1], [0, 0, 1, 1], [], []>, transpose_lhs_hint = false} : vector<1024x2048xbf16>, vector<2048x128xbf16>, vector<1024x128xf32> -> vector<1024x128xf32>
    %get3A_21 = arith.constant 0 : index
    %get3A_22 = arith.constant 0 : index
    %get3A_23 = vector.load %arg6[%get3A_21, %get3A_22] : memref<128x128xbf16, #tpu.memory_space<vmem>>, vector<128x128xbf16>
    %dot_general3A_24 = arith.constant dense<0.000000e+00> : vector<1024x128xf32>
    %dot_general3A_25 = tpu.matmul %convert_element_type3A, %get3A_23, %dot_general3A_24 {dimension_numbers = #tpu.dot_dimension_numbers<[1], [0], [0], [1], [0, 0, 1, 1], [], []>, transpose_lhs_hint = false} : vector<1024x128xbf16>, vector<128x128xbf16>, vector<1024x128xf32> -> vector<1024x128xf32>
    %add3A = arith.addf %dot_general3A_20, %dot_general3A_25 : vector<1024x128xf32>
    %mul3A_26 = arith.constant 1024 : i32
    %mul3A_27 = arith.muli %arg0, %mul3A_26 : i32
    %iota3A = tpu.iota {dimensions = array<i32: 0>} : vector<1024x128xi32>
    %add3A_28 = vector.broadcast %mul3A_27 : i32 to vector<1024x128xi32>
    %add3A_29 = arith.addi %add3A_28, %iota3A : vector<1024x128xi32>
    %lt3A = arith.constant 40000 : i32
    %lt3A_30 = vector.broadcast %lt3A : i32 to vector<1024x128xi32>
    %lt3A_31 = arith.cmpi slt, %add3A_29, %lt3A_30 : vector<1024x128xi32>
    %jit3A = arith.constant 0.000000e+00 : f32
    %broadcast_in_dim3A = vector.broadcast %jit3A : f32 to vector<1024x128xf32>
    %select_n3A = arith.select %lt3A_31, %add3A, %broadcast_in_dim3A : vector<1024x128xi1>, vector<1024x128xf32>
    %swap3A = arith.constant 0 : index
    %swap3A_32 = arith.constant 0 : index
    %swap3A_33 = vector.load %arg7[%swap3A, %swap3A_32] : memref<1024x128xf32, #tpu.memory_space<vmem>>, vector<1024x128xf32>
    tpu.vector_store %arg7[%swap3A, %swap3A_32], %select_n3A {strides = array<i32>} : memref<1024x128xf32, #tpu.memory_space<vmem>>, vector<1024x128xf32>,
    return
  }
  func.func @transform_0(%arg0: i32) -> (i32, i32) {
    %c0_i32 = arith.constant 0 : i32
    %c0_i32_0 = arith.constant 0 : i32
    return %arg0, %c0_i32 : i32, i32
  }
  func.func @transform_1(%arg0: i32) -> (i32, i32) {
    %c0_i32 = arith.constant 0 : i32
    %c0_i32_0 = arith.constant 0 : i32
    return %arg0, %c0_i32 : i32, i32
  }
  func.func @transform_2(%arg0: i32) -> (i32, i32) {
    %c0_i32 = arith.constant 0 : i32
    %c0_i32_0 = arith.constant 0 : i32
    %c0_i32_1 = arith.constant 0 : i32
    return %c0_i32, %c0_i32_0 : i32, i32
  }
  func.func @transform_3(%arg0: i32) -> (i32, i32) {
    %c0_i32 = arith.constant 0 : i32
    %c0_i32_0 = arith.constant 0 : i32
    %c0_i32_1 = arith.constant 0 : i32
    return %c0_i32, %c0_i32_0 : i32, i32
  }
  func.func @transform_4(%arg0: i32) -> (i32, i32) {
    %c0_i32 = arith.constant 0 : i32
    %c0_i32_0 = arith.constant 0 : i32
    %c0_i32_1 = arith.constant 0 : i32
    return %c0_i32, %c0_i32_0 : i32, i32
  }
  func.func @transform_5(%arg0: i32) -> (i32, i32) {
    %c0_i32 = arith.constant 0 : i32
    %c0_i32_0 = arith.constant 0 : i32
    %c0_i32_1 = arith.constant 0 : i32
    return %c0_i32, %c0_i32_0 : i32, i32
  }
  func.func @transform_6(%arg0: i32) -> (i32, i32) {
    %c0_i32 = arith.constant 0 : i32
    %c0_i32_0 = arith.constant 0 : i32
    return %arg0, %c0_i32 : i32, i32
  }
}

module attributes {stable_mosaic.version = 14 : i64} {
  func.func @_add_body(%arg0: memref<2x10000x16xf32, #tpu.memory_space<vmem>>, %arg1: memref<10000x16xf32, #tpu.memory_space<vmem>>) attributes {dimension_semantics = [], scalar_prefetch = 0 : i64, scratch_operands = 0 : i64, tpu.core_type = #tpu.core_type<tc>} {
    %get3A = arith.constant 0 : index
    %get3A_0 = arith.constant 0 : index
    %get3A_1 = arith.constant 0 : index
    %get3A_2 = vector.load %arg0[%get3A, %get3A_0, %get3A_1] : memref<2x10000x16xf32, #tpu.memory_space<vmem>>, vector<1x10000x16xf32>
    %get3A_3 = vector.shape_cast %get3A_2 : vector<1x10000x16xf32> to vector<10000x16xf32>
    %get3A_4 = arith.constant 1 : index
    %get3A_5 = arith.constant 0 : index
    %get3A_6 = arith.constant 0 : index
    %get3A_7 = vector.load %arg0[%get3A_4, %get3A_5, %get3A_6] : memref<2x10000x16xf32, #tpu.memory_space<vmem>>, vector<1x10000x16xf32>
    %get3A_8 = vector.shape_cast %get3A_7 : vector<1x10000x16xf32> to vector<10000x16xf32>
    %add3A = arith.addf %get3A_3, %get3A_8 : vector<10000x16xf32>
    %swap3A = arith.constant 0 : index
    %swap3A_9 = arith.constant 0 : index
    %swap3A_10 = vector.load %arg1[%swap3A, %swap3A_9] : memref<10000x16xf32, #tpu.memory_space<vmem>>, vector<10000x16xf32>
    tpu.vector_store %arg1[%swap3A, %swap3A_9], %add3A {strides = array<i32>} : memref<10000x16xf32, #tpu.memory_space<vmem>>, vector<10000x16xf32>,
    return
  }
}

</mosaic_0001>

<sc_bundles>
// kernel: kernel.10.cloned.1.call-start
scs
__scs_entry_jumppad:
0x0: {  	(pc) =	sbr.rel $0x88, $3  }
0x1: {  	(tag) =	ssettag $0x0;
	lr =	simm.s32 $0x1  }
0x2: {  	[smem:$0x3F9B] =	sst lr;
	_ =	strace $0xD0000000  }
0x3: {  	_ = 	snop  }
0x4: {  	_ = 	snop  }
0x5: {  	_ = 	snop  }
0x6: {  	_ = 	snop  }
0x7: {  	_ = 	snop  }
__scs_overlays_trampoline_lowered:
0x8: {  	[smem:$0x3FAA] =	sst s0  }
0x9: {  	[smem:$0x3FAB] =	sst s1  }
0xa: {  	[smem:$0x3FAC] =	sst s2  }
0xb: {  	[smem:$0x3FAD] =	sst s3  }
0xc: {  	[smem:$0x3FAE] =	sst s4  }
0xd: {  	[smem:$0x3FAF] =	sst s5  }
0xe: {  	[smem:$0x3FB0] =	sst s6  }
0xf: {  	[smem:$0x3FB1] =	sst s7  }
0x10: {  	[smem:$0x3FB2] =	sst s8  }
0x11: {  	[smem:$0x3FB3] =	sst s9;
	s0 =	simm.s32 @!p0 $0x0  }
0x12: {  	s1 =	sld [smem:$0x3F99];
	s0 =	simm.s32 @p0 $0x1  }
0x13: {  	[smem:$0x3FB4] =	sst s0;
	s0 =	simm.s32 @!p1 $0x0  }
0x14: {  	s2 =	sld [smem:$0x3F98];
	s0 =	simm.s32 @p1 $0x1  }
0x15: {  	[smem:$0x3FB5] =	sst s0;
	s0 =	simm.s32 @!p2 $0x0  }
0x16: {  	s3 =	sld [smem:$0x3FDB];
	s0 =	simm.s32 @p2 $0x1  }
0x17: {  	s4 =	simm.s32 $0x1BF5;
	[smem:$0x3FB7] =	sst s0  }
0x18: {  	s0 =	sld [smem:$0x3F9A];
	_ =	swait.ge [sflag:s4], $0x0  }
0x19: {  	s7 =	sld [smem:$0x3F9B]  }
0x1a: {  	s8 =	sadd.s32 $0xFFFFE003, lr  }
0x1b: {  	s9 =	sadd.s32 $0xFFFFFEF7, lr;
	s5 =	simm.s32 $0xFFFFFFFF;
	p2 =	slt.u32 s8, $0xFFFFF086  }
0x1c: {  	p1 =	slt.u32 s9, $0xF7A;
	s5 =	simm.s32 @!p2 $0x0  }
0x1d: {  	s5 =	simm.s32 @p1 $0x1;
	p0 =	seq.s32 s7, s2  }
0x1e: {  	s7 =	smul.u32 @!p0 $0xF7A, s2;
	p2 =	seq.s32 @!p0 s5, $0x0  }
0x1f: {  	s9 =	smul.u32 $0xF7A, s1;
	s8 =	simm.s32 @!p0 $0x1BF5;
	p2 =	por !p2, p0  }
0x20: {  	[sflag:s8] =	ssyncset.s32 @!p0 $0xFFFFF086;
	s6 =	sadd.s32 @!p0 s3, s7;
	s7 =	simm.s32 @!p0 $0x108  }
0x21: {  	s3 =	sadd.s32 s3, s9;
	s6 =	sadd.s32 @!p0 $0x88, s6;
	s7 =	simm.s32 @p2 $0x1082  }
0x22: {  	[simem:s7], [sflag:s8] =	dma.local @!p0 [hbm:s6], $0xF7A  }
0x23: {  	s9 =	sor.u32 $0xD0000000, s2;
	s6 =	simm.s32 $0x108;
	_ =	swait.ge @!p0 [sflag:s8], $0x0  }
0x24: {  	s3 =	sadd.s32 $0x88, s3;
	s6 =	simm.s32 @!p1 $0x1082;
	[sflag:s4] =	ssyncset.s32 $0xFFFFF086  }
0x25: {  	[simem:s6], [sflag:s4] =	dma.local [hbm:s3], $0xF7A  }
0x26: {  	[smem:$0x3F9B] =	sst s1;
	(tag) =	ssettag s2;
	_ =	strace s9  }
0x27: {  	s1 =	sld [smem:$0x3FAB]  }
0x28: {  	s2 =	sld [smem:$0x3FAC]  }
0x29: {  	s4 =	sld [smem:$0x3FAE]  }
0x2a: {  	p0 =	seq.s32 s5, $0x0;
	s5 =	sld [smem:$0x3FAF]  }
0x2b: {  	s6 =	sld [smem:$0x3FB0]  }
0x2c: {  	s7 =	sld [smem:$0x3FB1]  }
0x2d: {  	s3 =	simm.s32 $0x108;
	s8 =	sld [smem:$0x3FB2]  }
0x2e: {  	s3 =	simm.s32 @!p0 $0x1082;
	s9 =	sld [smem:$0x3FB3]  }
0x2f: {  	lr =	sadd.s32 s0, s3;
	s0 =	sld [smem:$0x3FAA]  }
0x30: {  	s3 =	sld [smem:$0x3FAD]  }
0x31: {  	[smem:$0x3FB6] =	sst s10  }
0x32: {  	s10 =	sld [smem:$0x3FB4];
	_ =	sdelay $0x3  }
0x33: {  	p0 =	seq.s32 s10, $0x1;
	s10 =	sld [smem:$0x3FB6];
	_ =	sdelay $0x3  }
0x34: {  	[smem:$0x3FB6] =	sst s10  }
0x35: {  	s10 =	sld [smem:$0x3FB5];
	_ =	sdelay $0x3  }
0x36: {  	p1 =	seq.s32 s10, $0x1;
	s10 =	sld [smem:$0x3FB6];
	_ =	sdelay $0x3  }
0x37: {  	[smem:$0x3FB6] =	sst s10  }
0x38: {  	s10 =	sld [smem:$0x3FB7]  }
0x39: {  	_ = 	snop;
	(pc) =	sbr.ind lr, $3  }
0x3a: {  	_ = 	snop  }
0x3b: {  	_ = 	snop  }
0x3c: {  	p2 =	seq.s32 s10, $0x1;
	s10 =	sld [smem:$0x3FB6]  }
0x3d: {  	_ =	shalt  }
0x3e: {  	_ =	shalt  }
0x3f: {  	_ =	shalt  }
0x40: {  	_ =	shalt  }
0x41: {  	_ =	shalt  }
0x42: {  	_ =	shalt  }
0x43: {  	_ =	shalt  }
0x44: {  	_ =	shalt  }
0x45: {  	_ =	shalt  }
0x46: {  	_ =	shalt  }
0x47: {  	_ =	shalt  }
0x48: {  	_ =	shalt  }
0x49: {  	_ =	shalt  }
0x4a: {  	_ =	shalt  }
0x4b: {  	_ =	shalt  }
0x4c: {  	_ =	shalt  }
0x4d: {  	_ =	shalt  }
0x4e: {  	_ =	shalt  }
0x4f: {  	_ =	shalt  }
0x50: {  	_ =	shalt  }
0x51: {  	_ =	shalt  }
0x52: {  	_ =	shalt  }
0x53: {  	_ =	shalt  }
0x54: {  	_ =	shalt  }
0x55: {  	_ =	shalt  }
0x56: {  	_ =	shalt  }
0x57: {  	_ =	shalt  }
0x58: {  	_ =	shalt  }
0x59: {  	_ =	shalt  }
0x5a: {  	_ =	shalt  }
0x5b: {  	_ =	shalt  }
0x5c: {  	_ =	shalt  }
0x5d: {  	_ =	shalt  }
0x5e: {  	_ =	shalt  }
0x5f: {  	_ =	shalt  }
0x60: {  	_ =	shalt  }
0x61: {  	_ =	shalt  }
0x62: {  	_ =	shalt  }
0x63: {  	_ =	shalt  }
0x64: {  	_ =	shalt  }
0x65: {  	_ =	shalt  }
0x66: {  	_ =	shalt  }
0x67: {  	_ =	shalt  }
0x68: {  	_ =	shalt  }
0x69: {  	_ =	shalt  }
0x6a: {  	_ =	shalt  }
0x6b: {  	_ =	shalt  }
0x6c: {  	_ =	shalt  }
0x6d: {  	_ =	shalt  }
0x6e: {  	_ =	shalt  }
0x6f: {  	_ =	shalt  }
0x70: {  	_ =	shalt  }
0x71: {  	_ =	shalt  }
0x72: {  	_ =	shalt  }
0x73: {  	_ =	shalt  }
0x74: {  	_ =	shalt  }
0x75: {  	_ =	shalt  }
0x76: {  	_ =	shalt  }
0x77: {  	_ =	shalt  }
0x78: {  	_ =	shalt  }
0x79: {  	_ =	shalt  }
0x7a: {  	_ =	shalt  }
0x7b: {  	_ =	shalt  }
0x7c: {  	_ =	shalt  }
0x7d: {  	_ =	shalt  }
0x7e: {  	_ =	shalt  }
0x7f: {  	_ =	shalt  }
0x80: {  	_ =	shalt  }
0x81: {  	_ =	shalt  }
0x82: {  	_ =	shalt  }
0x83: {  	_ =	shalt  }
0x84: {  	_ =	shalt  }
0x85: {  	_ =	shalt  }
0x86: {  	_ =	shalt  }
0x87: {  	_ =	shalt  }
.Lfunc_end0:
.L_simem_size_0:
called_computation.1_lowered:
.L_overlay_start_0:
0x88: {  	s2 =	sld [smem:$0x3FD9]  }
0x89: {  	s3 =	sld [smem:$0x3FFE];
	_ =	sdelay $0x1  }
0x8a: {  	s1 =	srdreg.scid  }
0x8b: {  	s0 =	sand.u32 $0x1, s1  }
0x8c: {  	s17 =	sshll.u32 s0, $0xA;
	s2 =	sadd.s32 s3, s2  }
0x8d: {  	s2 =	sadd.s32 s2, s17  }
0x8e: {  	[smem:$0x3FC2] =	sst s2  }
0x8f: {  	_ = 	snop  }
0x90: {  	s2 =	sld [smem:$0x3FD0];
	(tm) =	ssettm $0x1  }
0x91: {  	s18 =	sld [smem:$0x3FFB];
	_ =	sdelay $0x3  }
0x92: {  	_ =	strace s18  }
0x93: {  	s3 =	sld [smem:$0x3FFC];
	_ =	sdelay $0x3  }
0x94: {  	_ =	strace s3  }
0x95: {  	s3 =	sld [smem:$0x3FFD];
	_ =	sdelay $0x3  }
0x96: {  	_ =	strace s3  }
0x97: {  	_ =	strace $0x8FFFFFFF  }
0x98: {  	s19 =	sld [smem:$0x3FDB];
	_ =	sdelay $0x1  }
0x99: {  	s4 =	simm.s32 $_scs_section_size  }
0x9a: {  	s5 =	simm.s32 $_size__tile_overlayer_lowered;
	s6 =	simm.s32 $_tile_overlayer_lowered  }
0x9b: {  	s22 =	simm.s32 $0x1BFF;
	s21 =	sshll.u32 s6, $0x1;
	s3 =	sadd.s32 s4, s19  }
0x9c: {  	s7 =	simm.s32 $0x0;
	s20 =	sshll.u32 s5, $0x1;
	s5 =	sadd.s32 s21, s3  }
0x9d: {  	[timem:s7], [sflag:s22] =	dma.local [hbm:s5], s20  }
0x9e: {  	_ =	swait.ge [sflag:s22], s20  }
0x9f: {  	s4 =	ssub.s32 $0x0, s20;
	[sflag:s22] =	ssyncset.done $0x0  }
0xa0: {  	[sflag:s22] =	ssyncadd.s32 s4;
	_ =	sdelay $0x1  }
0xa1: {  	s23 =	simm.s32 $0x1B8B  }
0xa2: {  	_ =	swait.ge [sflag:s23], $0x1  }
0xa3: {  	[sflag:s23] =	ssyncset.done $0x0  }
0xa4: {  	s25 =	simm.s32 $0x1B8E;
	s24 =	sld [smem:$0x3FFE];
	[sflag:s23] =	ssyncadd.s32 $0xFFFFFFFF  }
0xa5: {  	s26 =	simm.s32 $execute0_lowered;
	[smem:$0x3FD2] =	sst s25  }
0xa6: {  	s5 =	sshll.u32 s26, $0x1;
	_ =	strace $0x80000049;
	[dreg:$0x1] =	wrdreg $0xFFFFFFFF  }
0xa7: {  	s28 =	simm.s32 $_size_execute0_lowered;
	s3 =	sadd.s32 s3, s5;
	[dreg:$0x0] =	wrdreg $0x0  }
0xa8: {  	s5 =	sshll.u32 s28, $0x1;
	[dreg:$0x2] =	wrdreg s3  }
0xa9: {  	[dreg:$0x3] =	wrdreg s5  }
0xaa: {  	[dreg:$0x4] =	wrdreg $0xC0  }
0xab: {  	_ =	task [dreg:s7], $0x5FFFF  }
0xac: {  	[dreg:$0x1] =	wrdreg $0xFFFFFFFF  }
0xad: {  	[dreg:$0x0] =	wrdreg $0x60  }
0xae: {  	[dreg:$0x2] =	wrdreg s24  }
0xaf: {  	[dreg:$0x3] =	wrdreg s2  }
0xb0: {  	[dreg:$0x4] =	wrdreg $0x154000  }
0xb1: {  	[dreg:$0x5] =	wrdreg $0x9  }
0xb2: {  	_ =	task.clear_ibuf [dreg:s7], $0x6FFFF;
	_ =	strace $0x90000049  }
0xb3: {  	s29 =	simm.s32 $0x9;
	_ =	strace $0x8000004B  }
0xb4: {  	_ =	swait.ge [sflag:s29], $0x1  }
0xb5: {  	[sflag:s29] =	ssyncadd.s32 $0xFFFFFFFF  }
0xb6: {  	_ =	strace $0x9000004B  }
0xb7: {  	_ =	sfence  }
0xb8: {  	s30 =	sld [smem:$0x0];
	_ =	sdelay $0x2  }
0xb9: {  	s31 =	sshll.u32 s1, $0xD;
	s1 =	sshrl.u32 s1, $0x2  }
0xba: {  	s3 =	sand.u32 $0x4000, s31;
	s1 =	sadd.s32 s1, s30  }
0xbb: {  	s0 =	sor.u32 s3, s0;
	s1 =	sshll.u32 s1, $0x11  }
0xbc: {  	s0 =	sor.u32 s1, s0  }
0xbd: {  	s0 =	sadd.s32 $0x8F2B, s0  }
0xbe: {  	[sflag:s0] =	ssyncadd.remote.s32 $0x1  }
0xbf: {  	_ =	sfence.sel $0xFFFF  }
0xc0: {  	[dreg:$0x0] =	wrdreg $0xFFFFFFFF;
	(pc) =	sbr.abs _section_cstart, $3  }
0xc1: {  	[dreg:$0x1] =	wrdreg $0xFFFFFFFF  }
0xc2: {  	_ =	task.clear_ibuf [dreg:s7], $0x2FFFF;
	_ =	strace $0x9FFFFFFF  }
0xc3: {  	(tm) =	ssettm $0x7FFFFFFF  }
tec
execute0_lowered:
.L_overlay_start_1:
0x0: {  	(tag) =	ssettag $0x1  }
0x1: {  	s4 =	rddreg [dreg:$0x0]  }
0x2: {  	s1 =	rddreg [dreg:$0x1]  }
0x3: {  	s2 =	rddreg [dreg:$0x2];
	s3 =	srdreg.scid  }
0x4: {  	s0 =	rddreg [dreg:$0x3];
	s8 =	stileid.u32  }
0x5: {  	s5 =	sand.u32 $0x1, s3;
	s3 =	simm.s32 $0x0;
	s10 =	sadd.s32 $0xB6C00, s4  }
0x6: {  	s13 =	sadd.s32 $0xCC00, s4;
	p0 =	sne.s32 s8, $0x0;
	s6 =	sshll.u32 s5, $0x4  }
0x7: {  	[smem:$0x7FF] =	sst s3;
	s7 =	smul.u32 $0x4E20, s5;
	s6 =	sor.u32 s8, s6  }
0x8: {  	s5 =	ssub.s32 $0x2, s5;
	_ =	strace $0x8000004A;
	s9 =	smul.u32 $0x50, s6  }
0x9: {  	s11 =	sshrl.u32 s5, $0x1;
	s12 =	smul.u32 $0x500, s6;
	s7 =	sadd.s32 s7, s4  }
0xa: {  	s5 =	ssub.s32 s5, s11;
	s30 =	smul.u32 $0x5000, s6;
	s11 =	simm.s32 $0x1  }
0xb: {  	s4 =	sadd.s32 $0x2C00, s7;
	s5 =	smax.u32 s5, $0x1;
	s9 =	sadd.s32 $0x28, s9  }
0xc: {  	s6 =	sadd.s32 s13, s12;
	s7 =	sadd.s32 s10, s30;
	s31 =	sshll.u32 s9, $0x4  }
0xd: {  	s12 =	simm.s32 $0x80;
	s9 =	sshll.u32 s9, $0x8;
	s8 =	sadd.s32 s13, s31  }
0xe: {  	s9 =	sadd.s32 s10, s9;
	s10 =	sshrl.u32 @!p0 s2, $0x3;
	s13 =	simm.s32 $0x0  }
.LBB2_1:
0xf: {  	s14 =	simm.s32 @!p0 $0x1C01  }
0x10: {  	[spmem:s10], [sflag:s14] =	dma.local @!p0 [hbm:s1], $0x4E20  }
0x11: {  	s14 =	simm.s32 @!p0 $0x1  }
0x12: {  	_ =	swait.ge @!p0 [sflag:s14], $0x4E20  }
0x13: {  	[sflag:s14] =	ssyncset.done @!p0 $0x0  }
0x14: {  	[sflag:s14] =	ssyncadd.s32 @!p0 $0xFFFFB1E0  }
0x15: {  	[bflag:$0x0] =	sbarrier.arrive $0xFFFF  }
0x16: {  	[tilespmem:s3], [sflag:$0x1] =	stream.linear.gather [hbm4b:s6+s3], $0x1400, $0x38;
	[tilespmem:$0x17B10] =	vst v63  }
0x17: {  	_ =	swait.ge [sflag:s11], $0x1400  }
0x18: {  	[sflag:s11] =	ssyncset.done $0x0  }
0x19: {  	s14 =	simm.s32 $0x1400;
	[sflag:s11] =	ssyncadd.s32 $0xFFFFEC00  }
0x1a: {  	[tilespmem:s14], [sflag:$0x1] =	stream.linear.gather [hbm4b:s7+s3], $0x14000, $0x38;
	[tilespmem:$0x17B10] =	vst v63  }
0x1b: {  	_ =	swait.ge [sflag:s11], $0x14000  }
0x1c: {  	[sflag:s11] =	ssyncset.done $0x0  }
0x1d: {  	s15 =	simm.s32 $0x0;
	[sflag:s11] =	ssyncadd.s32 $0xFFFEC000  }
0x1e: {  	[spmem:s2] =	stream.indirect.scatter.add.f32 [tilespmem:s14], [sflag:$0x1], $0x10, s15, s12, $0xb8;
	[tilespmem:$0x17B10] =	vst v63  }
0x1f: {  	_ =	swait.ge [sflag:s11], $0x800  }
0x20: {  	s15 =	simm.s32 $0x200;
	[sflag:s11] =	ssyncset.done $0x0  }
.LBB2_2:
0x21: {  	s16 =	sshra.s32 s15, $0x2  }
0x22: {  	[sflag:s11] =	ssyncadd.s32 $0xFFFFF800;
	s14 =	sadd.s32 $0x800, s14;
	p1 =	sne.s32 s15, $0x4E00  }
0x23: {  	[spmem:s2] =	stream.indirect.scatter.add.f32 [tilespmem:s14], [sflag:$0x1], $0x10, s16, s12, $0xb8;
	[tilespmem:$0x17B10] =	vst v63  }
.Ltmp0:
0x24: {  	_ = 	snop;
	(pc) =	sbr.rel @p1 .LBB2_2-.Ltmp0, $4  }
0x25: {  	_ = 	snop  }
0x26: {  	s15 =	sadd.s32 $0x200, s15  }
0x27: {  	_ =	swait.ge [sflag:s11], $0x800  }
0x28: {  	[sflag:s11] =	ssyncset.done $0x0  }
0x29: {  	[sflag:s11] =	ssyncadd.s32 $0xFFFFF800;
	s15 =	simm.s32 $0x0  }
0x2a: {  	[tilespmem:s15], [sflag:$0x1] =	stream.linear.gather [hbm4b:s8+s15], $0x1400, $0x38;
	[tilespmem:$0x17B10] =	vst v63  }
0x2b: {  	_ =	swait.ge [sflag:s11], $0x1400  }
0x2c: {  	[sflag:s11] =	ssyncset.done $0x0  }
0x2d: {  	s14 =	simm.s32 $0x1400;
	[sflag:s11] =	ssyncadd.s32 $0xFFFFEC00  }
0x2e: {  	[tilespmem:s14], [sflag:$0x1] =	stream.linear.gather [hbm4b:s9+s15], $0x14000, $0x38;
	[tilespmem:$0x17B10] =	vst v63  }
0x2f: {  	_ =	swait.ge [sflag:s11], $0x14000  }
0x30: {  	[sflag:s11] =	ssyncset.done $0x0  }
0x31: {  	s31 =	simm.s32 $0x0;
	[sflag:s11] =	ssyncadd.s32 $0xFFFEC000  }
0x32: {  	[spmem:s2] =	stream.indirect.scatter.add.f32 [tilespmem:s14], [sflag:$0x1], $0x10, s31, s12, $0xb8;
	[tilespmem:$0x17B10] =	vst v63  }
0x33: {  	_ =	swait.ge [sflag:s11], $0x800  }
0x34: {  	s15 =	simm.s32 $0x200;
	[sflag:s11] =	ssyncset.done $0x0  }
.LBB2_4:
0x35: {  	s16 =	sshra.s32 s15, $0x2  }
0x36: {  	[sflag:s11] =	ssyncadd.s32 $0xFFFFF800;
	s14 =	sadd.s32 $0x800, s14;
	p1 =	sne.s32 s15, $0x4E00  }
0x37: {  	[spmem:s2] =	stream.indirect.scatter.add.f32 [tilespmem:s14], [sflag:$0x1], $0x10, s16, s12, $0xb8;
	[tilespmem:$0x17B10] =	vst v63  }
.Ltmp1:
0x38: {  	_ = 	snop;
	(pc) =	sbr.rel @p1 .LBB2_4-.Ltmp1, $4  }
0x39: {  	_ = 	snop  }
0x3a: {  	s15 =	sadd.s32 $0x200, s15  }
0x3b: {  	_ =	swait.ge [sflag:s11], $0x800  }
0x3c: {  	[sflag:s11] =	ssyncset.done $0x0  }
0x3d: {  	[sflag:s11] =	ssyncadd.s32 $0xFFFFF800;
	s13 =	sadd.s32 $0x1, s13  }
0x3e: {  	s14 =	simm.s32 @!p0 $0x1C01;
	[bflag:$0x0] =	sbarrier.arrive $0xFFFF;
	p1 =	sne.s32 s13, s5  }
0x3f: {  	[hbm:s4], [sflag:s14] =	dma.local @!p0 [spmem:s10], $0x4E20  }
.Ltmp2:
0x40: {  	_ = 	snop;
	(pc) =	sbr.rel @p1 .LBB2_1-.Ltmp2, $4  }
0x41: {  	s14 =	simm.s32 @!p0 $0x1  }
0x42: {  	_ =	swait.ge @!p0 [sflag:s14], $0x4E20  }
0x43: {  	[sflag:s14] =	ssyncset.done @!p0 $0x0  }
0x44: {  	[sflag:s14] =	ssyncadd.s32 @!p0 $0xFFFFB1E0  }
0x45: {  	_ =	sfence.sel $0x180000  }
0x46: {  	[bflag:$0x0] =	sbarrier.arrive $0xFFFF  }
0x47: {  	_ =	strace $0x9000004A  }
0x48: {  	s0 =	sadd.s32 @!p0 $0x100000, s0;
	[bflag:$0x2] =	sbarrier.arrive $0xFFFF  }
0x49: {  	[sflag:s0] =	ssyncadd.tile.s32 @!p0 $0x1;
	_ =	shalt  }
.Lfunc_end2:
_tile_overlayer_lowered:
.L_overlay_start_2:
0x4a: {  	(tag) =	ssettag $0x2  }
0x4b: {  	s0 =	rddreg [dreg:$0x0];
	s2 =	stileid.u32  }
0x4c: {  	s1 =	rddreg [dreg:$0x1];
	p0 =	sne.s32 s2, $0x0  }
0x4d: {  	s3 =	rddreg [dreg:$0x2];
	[bflag:$0x3] =	sbarrier.arrive $0xFFFF;
	s2 =	simm.s32 @!p0 $0x1C01  }
0x4e: {  	[timem:s3], [sflag:s2] =	dma.local @!p0 [hbm:s0], s1  }
0x4f: {  	s0 =	simm.s32 @!p0 $0x1  }
0x50: {  	_ =	swait.ge @!p0 [sflag:s0], s1  }
0x51: {  	s1 =	ssub.s32 @!p0 $0x0, s1;
	[sflag:s0] =	ssyncset.done @!p0 $0x0  }
0x52: {  	[sflag:s0] =	ssyncadd.s32 @!p0 s1  }
0x53: {  	[bflag:$0x3] =	sbarrier.arrive $0xFFFF  }
0x54: {  	_ =	shalt  }

// kernel: kernel.7.cloned.1.call-start
scs
__scs_entry_jumppad:
0x0: {  	(pc) =	sbr.rel $0x88, $3  }
0x1: {  	(tag) =	ssettag $0x0;
	lr =	simm.s32 $0x1  }
0x2: {  	[smem:$0x3F9B] =	sst lr;
	_ =	strace $0xD0000000  }
0x3: {  	_ = 	snop  }
0x4: {  	_ = 	snop  }
0x5: {  	_ = 	snop  }
0x6: {  	_ = 	snop  }
0x7: {  	_ = 	snop  }
__scs_overlays_trampoline_lowered:
0x8: {  	[smem:$0x3FAA] =	sst s0  }
0x9: {  	[smem:$0x3FAB] =	sst s1  }
0xa: {  	[smem:$0x3FAC] =	sst s2  }
0xb: {  	[smem:$0x3FAD] =	sst s3  }
0xc: {  	[smem:$0x3FAE] =	sst s4  }
0xd: {  	[smem:$0x3FAF] =	sst s5  }
0xe: {  	[smem:$0x3FB0] =	sst s6  }
0xf: {  	[smem:$0x3FB1] =	sst s7  }
0x10: {  	[smem:$0x3FB2] =	sst s8  }
0x11: {  	[smem:$0x3FB3] =	sst s9;
	s0 =	simm.s32 @!p0 $0x0  }
0x12: {  	s1 =	sld [smem:$0x3F99];
	s0 =	simm.s32 @p0 $0x1  }
0x13: {  	[smem:$0x3FB4] =	sst s0;
	s0 =	simm.s32 @!p1 $0x0  }
0x14: {  	s2 =	sld [smem:$0x3F98];
	s0 =	simm.s32 @p1 $0x1  }
0x15: {  	[smem:$0x3FB5] =	sst s0;
	s0 =	simm.s32 @!p2 $0x0  }
0x16: {  	s3 =	sld [smem:$0x3FDB];
	s0 =	simm.s32 @p2 $0x1  }
0x17: {  	s4 =	simm.s32 $0x1BF5;
	[smem:$0x3FB7] =	sst s0  }
0x18: {  	s0 =	sld [smem:$0x3F9A];
	_ =	swait.ge [sflag:s4], $0x0  }
0x19: {  	s7 =	sld [smem:$0x3F9B]  }
0x1a: {  	s8 =	sadd.s32 $0xFFFFE003, lr  }
0x1b: {  	s9 =	sadd.s32 $0xFFFFFEF7, lr;
	s5 =	simm.s32 $0xFFFFFFFF;
	p2 =	slt.u32 s8, $0xFFFFF086  }
0x1c: {  	p1 =	slt.u32 s9, $0xF7A;
	s5 =	simm.s32 @!p2 $0x0  }
0x1d: {  	s5 =	simm.s32 @p1 $0x1;
	p0 =	seq.s32 s7, s2  }
0x1e: {  	s7 =	smul.u32 @!p0 $0xF7A, s2;
	p2 =	seq.s32 @!p0 s5, $0x0  }
0x1f: {  	s9 =	smul.u32 $0xF7A, s1;
	s8 =	simm.s32 @!p0 $0x1BF5;
	p2 =	por !p2, p0  }
0x20: {  	[sflag:s8] =	ssyncset.s32 @!p0 $0xFFFFF086;
	s6 =	sadd.s32 @!p0 s3, s7;
	s7 =	simm.s32 @!p0 $0x108  }
0x21: {  	s3 =	sadd.s32 s3, s9;
	s6 =	sadd.s32 @!p0 $0x88, s6;
	s7 =	simm.s32 @p2 $0x1082  }
0x22: {  	[simem:s7], [sflag:s8] =	dma.local @!p0 [hbm:s6], $0xF7A  }
0x23: {  	s9 =	sor.u32 $0xD0000000, s2;
	s6 =	simm.s32 $0x108;
	_ =	swait.ge @!p0 [sflag:s8], $0x0  }
0x24: {  	s3 =	sadd.s32 $0x88, s3;
	s6 =	simm.s32 @!p1 $0x1082;
	[sflag:s4] =	ssyncset.s32 $0xFFFFF086  }
0x25: {  	[simem:s6], [sflag:s4] =	dma.local [hbm:s3], $0xF7A  }
0x26: {  	[smem:$0x3F9B] =	sst s1;
	(tag) =	ssettag s2;
	_ =	strace s9  }
0x27: {  	s1 =	sld [smem:$0x3FAB]  }
0x28: {  	s2 =	sld [smem:$0x3FAC]  }
0x29: {  	s4 =	sld [smem:$0x3FAE]  }
0x2a: {  	p0 =	seq.s32 s5, $0x0;
	s5 =	sld [smem:$0x3FAF]  }
0x2b: {  	s6 =	sld [smem:$0x3FB0]  }
0x2c: {  	s7 =	sld [smem:$0x3FB1]  }
0x2d: {  	s3 =	simm.s32 $0x108;
	s8 =	sld [smem:$0x3FB2]  }
0x2e: {  	s3 =	simm.s32 @!p0 $0x1082;
	s9 =	sld [smem:$0x3FB3]  }
0x2f: {  	lr =	sadd.s32 s0, s3;
	s0 =	sld [smem:$0x3FAA]  }
0x30: {  	s3 =	sld [smem:$0x3FAD]  }
0x31: {  	[smem:$0x3FB6] =	sst s10  }
0x32: {  	s10 =	sld [smem:$0x3FB4];
	_ =	sdelay $0x3  }
0x33: {  	p0 =	seq.s32 s10, $0x1;
	s10 =	sld [smem:$0x3FB6];
	_ =	sdelay $0x3  }
0x34: {  	[smem:$0x3FB6] =	sst s10  }
0x35: {  	s10 =	sld [smem:$0x3FB5];
	_ =	sdelay $0x3  }
0x36: {  	p1 =	seq.s32 s10, $0x1;
	s10 =	sld [smem:$0x3FB6];
	_ =	sdelay $0x3  }
0x37: {  	[smem:$0x3FB6] =	sst s10  }
0x38: {  	s10 =	sld [smem:$0x3FB7]  }
0x39: {  	_ = 	snop;
	(pc) =	sbr.ind lr, $3  }
0x3a: {  	_ = 	snop  }
0x3b: {  	_ = 	snop  }
0x3c: {  	p2 =	seq.s32 s10, $0x1;
	s10 =	sld [smem:$0x3FB6]  }
0x3d: {  	_ =	shalt  }
0x3e: {  	_ =	shalt  }
0x3f: {  	_ =	shalt  }
0x40: {  	_ =	shalt  }
0x41: {  	_ =	shalt  }
0x42: {  	_ =	shalt  }
0x43: {  	_ =	shalt  }
0x44: {  	_ =	shalt  }
0x45: {  	_ =	shalt  }
0x46: {  	_ =	shalt  }
0x47: {  	_ =	shalt  }
0x48: {  	_ =	shalt  }
0x49: {  	_ =	shalt  }
0x4a: {  	_ =	shalt  }
0x4b: {  	_ =	shalt  }
0x4c: {  	_ =	shalt  }
0x4d: {  	_ =	shalt  }
0x4e: {  	_ =	shalt  }
0x4f: {  	_ =	shalt  }
0x50: {  	_ =	shalt  }
0x51: {  	_ =	shalt  }
0x52: {  	_ =	shalt  }
0x53: {  	_ =	shalt  }
0x54: {  	_ =	shalt  }
0x55: {  	_ =	shalt  }
0x56: {  	_ =	shalt  }
0x57: {  	_ =	shalt  }
0x58: {  	_ =	shalt  }
0x59: {  	_ =	shalt  }
0x5a: {  	_ =	shalt  }
0x5b: {  	_ =	shalt  }
0x5c: {  	_ =	shalt  }
0x5d: {  	_ =	shalt  }
0x5e: {  	_ =	shalt  }
0x5f: {  	_ =	shalt  }
0x60: {  	_ =	shalt  }
0x61: {  	_ =	shalt  }
0x62: {  	_ =	shalt  }
0x63: {  	_ =	shalt  }
0x64: {  	_ =	shalt  }
0x65: {  	_ =	shalt  }
0x66: {  	_ =	shalt  }
0x67: {  	_ =	shalt  }
0x68: {  	_ =	shalt  }
0x69: {  	_ =	shalt  }
0x6a: {  	_ =	shalt  }
0x6b: {  	_ =	shalt  }
0x6c: {  	_ =	shalt  }
0x6d: {  	_ =	shalt  }
0x6e: {  	_ =	shalt  }
0x6f: {  	_ =	shalt  }
0x70: {  	_ =	shalt  }
0x71: {  	_ =	shalt  }
0x72: {  	_ =	shalt  }
0x73: {  	_ =	shalt  }
0x74: {  	_ =	shalt  }
0x75: {  	_ =	shalt  }
0x76: {  	_ =	shalt  }
0x77: {  	_ =	shalt  }
0x78: {  	_ =	shalt  }
0x79: {  	_ =	shalt  }
0x7a: {  	_ =	shalt  }
0x7b: {  	_ =	shalt  }
0x7c: {  	_ =	shalt  }
0x7d: {  	_ =	shalt  }
0x7e: {  	_ =	shalt  }
0x7f: {  	_ =	shalt  }
0x80: {  	_ =	shalt  }
0x81: {  	_ =	shalt  }
0x82: {  	_ =	shalt  }
0x83: {  	_ =	shalt  }
0x84: {  	_ =	shalt  }
0x85: {  	_ =	shalt  }
0x86: {  	_ =	shalt  }
0x87: {  	_ =	shalt  }
.Lfunc_end0:
.L_simem_size_0:
called_computation_lowered:
.L_overlay_start_0:
0x88: {  	s2 =	sld [smem:$0x3FD9]  }
0x89: {  	s3 =	sld [smem:$0x3FFE];
	_ =	sdelay $0x1  }
0x8a: {  	s1 =	srdreg.scid  }
0x8b: {  	s0 =	sand.u32 $0x1, s1  }
0x8c: {  	s17 =	sshll.u32 s0, $0xA;
	s2 =	sadd.s32 s3, s2  }
0x8d: {  	s2 =	sadd.s32 s2, s17  }
0x8e: {  	[smem:$0x3FC2] =	sst s2  }
0x8f: {  	_ = 	snop  }
0x90: {  	s2 =	sld [smem:$0x3FD0];
	(tm) =	ssettm $0x1  }
0x91: {  	s18 =	sld [smem:$0x3FFB];
	_ =	sdelay $0x3  }
0x92: {  	_ =	strace s18  }
0x93: {  	s3 =	sld [smem:$0x3FFC];
	_ =	sdelay $0x3  }
0x94: {  	_ =	strace s3  }
0x95: {  	s3 =	sld [smem:$0x3FFD];
	_ =	sdelay $0x3  }
0x96: {  	_ =	strace s3  }
0x97: {  	_ =	strace $0x8FFFFFFF  }
0x98: {  	s19 =	sld [smem:$0x3FDB];
	_ =	sdelay $0x1  }
0x99: {  	s4 =	simm.s32 $_scs_section_size  }
0x9a: {  	s5 =	simm.s32 $_size__tile_overlayer_lowered;
	s6 =	simm.s32 $_tile_overlayer_lowered  }
0x9b: {  	s22 =	simm.s32 $0x1BFF;
	s21 =	sshll.u32 s6, $0x1;
	s3 =	sadd.s32 s4, s19  }
0x9c: {  	s7 =	simm.s32 $0x0;
	s20 =	sshll.u32 s5, $0x1;
	s5 =	sadd.s32 s21, s3  }
0x9d: {  	[timem:s7], [sflag:s22] =	dma.local [hbm:s5], s20  }
0x9e: {  	_ =	swait.ge [sflag:s22], s20  }
0x9f: {  	s4 =	ssub.s32 $0x0, s20;
	[sflag:s22] =	ssyncset.done $0x0  }
0xa0: {  	[sflag:s22] =	ssyncadd.s32 s4;
	_ =	sdelay $0x1  }
0xa1: {  	s23 =	simm.s32 $0x1B8B  }
0xa2: {  	_ =	swait.ge [sflag:s23], $0x1  }
0xa3: {  	[sflag:s23] =	ssyncset.done $0x0  }
0xa4: {  	s25 =	simm.s32 $0x1B8E;
	s24 =	sld [smem:$0x3FFE];
	[sflag:s23] =	ssyncadd.s32 $0xFFFFFFFF  }
0xa5: {  	s26 =	simm.s32 $execute0_lowered;
	[smem:$0x3FD2] =	sst s25  }
0xa6: {  	s5 =	sshll.u32 s26, $0x1;
	_ =	strace $0x80000046;
	[dreg:$0x1] =	wrdreg $0xFFFFFFFF  }
0xa7: {  	s28 =	simm.s32 $_size_execute0_lowered;
	s3 =	sadd.s32 s3, s5;
	[dreg:$0x0] =	wrdreg $0x0  }
0xa8: {  	s5 =	sshll.u32 s28, $0x1;
	[dreg:$0x2] =	wrdreg s3  }
0xa9: {  	[dreg:$0x3] =	wrdreg s5  }
0xaa: {  	[dreg:$0x4] =	wrdreg $0xC0  }
0xab: {  	_ =	task [dreg:s7], $0x5FFFF  }
0xac: {  	[dreg:$0x1] =	wrdreg $0xFFFFFFFF  }
0xad: {  	[dreg:$0x0] =	wrdreg $0x60  }
0xae: {  	[dreg:$0x2] =	wrdreg s2  }
0xaf: {  	[dreg:$0x3] =	wrdreg s24  }
0xb0: {  	[dreg:$0x4] =	wrdreg $0x154000  }
0xb1: {  	[dreg:$0x5] =	wrdreg $0x9  }
0xb2: {  	_ =	task.clear_ibuf [dreg:s7], $0x6FFFF;
	_ =	strace $0x90000046  }
0xb3: {  	s29 =	simm.s32 $0x9;
	_ =	strace $0x80000048  }
0xb4: {  	_ =	swait.ge [sflag:s29], $0x1  }
0xb5: {  	[sflag:s29] =	ssyncadd.s32 $0xFFFFFFFF  }
0xb6: {  	_ =	strace $0x90000048  }
0xb7: {  	_ =	sfence  }
0xb8: {  	s30 =	sld [smem:$0x0];
	_ =	sdelay $0x2  }
0xb9: {  	s31 =	sshll.u32 s1, $0xD;
	s1 =	sshrl.u32 s1, $0x2  }
0xba: {  	s3 =	sand.u32 $0x4000, s31;
	s1 =	sadd.s32 s1, s30  }
0xbb: {  	s0 =	sor.u32 s3, s0;
	s1 =	sshll.u32 s1, $0x11  }
0xbc: {  	s0 =	sor.u32 s1, s0  }
0xbd: {  	s0 =	sadd.s32 $0x8F2B, s0  }
0xbe: {  	[sflag:s0] =	ssyncadd.remote.s32 $0x1  }
0xbf: {  	_ =	sfence.sel $0xFFFF  }
0xc0: {  	[dreg:$0x0] =	wrdreg $0xFFFFFFFF;
	(pc) =	sbr.abs _section_cstart, $3  }
0xc1: {  	[dreg:$0x1] =	wrdreg $0xFFFFFFFF  }
0xc2: {  	_ =	task.clear_ibuf [dreg:s7], $0x2FFFF;
	_ =	strace $0x9FFFFFFF  }
0xc3: {  	(tm) =	ssettm $0x7FFFFFFF  }
tec
execute0_lowered:
.L_overlay_start_1:
0x0: {  	(tag) =	ssettag $0x1  }
0x1: {  	s1 =	rddreg [dreg:$0x0]  }
0x2: {  	s4 =	rddreg [dreg:$0x1]  }
0x3: {  	s2 =	rddreg [dreg:$0x2]  }
0x4: {  	s0 =	rddreg [dreg:$0x3];
	s5 =	srdreg.scid  }
0x5: {  	s9 =	stileid.u32;
	s3 =	simm.s32 $0x0;
	s13 =	simm.s32 $0x1400  }
0x6: {  	s14 =	simm.s32 $0x0;
	s5 =	sand.u32 $0x1, s5;
	s6 =	sshll.u32 s9, $0x1  }
0x7: {  	[smem:$0x7FF] =	sst s3;
	s8 =	sadd.s32 $0x2C00, s4;
	s6 =	sor.u32 s5, s6  }
0x8: {  	s12 =	sadd.s32 $0x16C00, s4;
	s5 =	ssub.s32 $0x2, s5;
	s7 =	smul.u32 $0x50, s6  }
0x9: {  	p0 =	sne.s32 s9, $0x0;
	s10 =	sshrl.u32 s5, $0x1;
	s11 =	smul.u32 $0x500, s6  }
0xa: {  	_ =	strace $0x80000047;
	s6 =	smul.u32 $0x5000, s6;
	s29 =	ssub.s32 s5, s10  }
0xb: {  	s9 =	sshrl.u32 @!p0 s2, $0x3;
	s10 =	simm.s32 $0x2;
	s4 =	smax.u32 s29, $0x1  }
0xc: {  	s5 =	sadd.s32 s8, s11;
	s7 =	sadd.s32 $0x28, s7;
	s6 =	sadd.s32 s12, s6  }
0xd: {  	s11 =	simm.s32 $0x80;
	s30 =	sshll.u32 s7, $0x4;
	s31 =	sshll.u32 s7, $0x8  }
0xe: {  	s7 =	sadd.s32 s8, s30;
	s8 =	sadd.s32 s12, s31;
	s12 =	simm.s32 $0x1  }
.LBB2_1:
0xf: {  	s15 =	simm.s32 @!p0 $0x1C02  }
0x10: {  	[spmem:s9], [sflag:s15] =	dma.local @!p0 [hbm:s1], $0x4E20  }
0x11: {  	s15 =	simm.s32 @!p0 $0x2  }
0x12: {  	_ =	swait.ge @!p0 [sflag:s15], $0x4E20  }
0x13: {  	[sflag:s15] =	ssyncset.done @!p0 $0x0  }
0x14: {  	[sflag:s15] =	ssyncadd.s32 @!p0 $0xFFFFB1E0  }
0x15: {  	[bflag:$0x0] =	sbarrier.arrive $0xFFFF  }
0x16: {  	[tilespmem:s3], [sflag:$0x2] =	stream.linear.gather [hbm4b:s5+s3], $0x1400, $0x38;
	[tilespmem:$0x17B10] =	vst v63  }
0x17: {  	_ =	swait.ge [sflag:s10], $0x1400  }
0x18: {  	s18 =	simm.s32 $0x0;
	s16 =	simm.s32 $0x1C00;
	[sflag:s10] =	ssyncset.done $0x0  }
0x19: {  	s17 =	simm.s32 $0x1400;
	s15 =	simm.s32 $0x200;
	[sflag:s10] =	ssyncadd.s32 $0xFFFFEC00  }
.LBB2_2:
0x1a: {  	[tilespmem:s17], [sflag:$0x1] =	stream.indirect.gather [spmem:s2], $0x10, s18, s11, $0xb8;
	[tilespmem:$0x17B10] =	vst v63  }
0x1b: {  	s18 =	smov.u32 s15;
	s17 =	smov.u32 s16;
	p1 =	sne.s32 s15, $0x4E00  }
.Ltmp0:
0x1c: {  	s15 =	sadd.s32 $0x200, s15;
	(pc) =	sbr.rel @p1 .LBB2_2-.Ltmp0, $2  }
0x1d: {  	_ =	sdelay $0x2  }
0x1e: {  	s16 =	sadd.s32 $0x800, s16;
	s18 =	sshra.s32 s18, $0x2  }
0x1f: {  	[tilespmem:s17], [sflag:$0x1] =	stream.indirect.gather [spmem:s2], $0x10, s18, s11, $0xb8;
	[tilespmem:$0x17B10] =	vst v63  }
0x20: {  	_ =	swait.ge [sflag:s12], $0x14000  }
0x21: {  	[sflag:s12] =	ssyncset.done $0x0  }
0x22: {  	s16 =	simm.s32 $0x0;
	s15 =	simm.s32 $0x1400;
	[sflag:s12] =	ssyncadd.s32 $0xFFFEC000  }
0x23: {  	[hbm4b:s6+s16] =	stream.linear.scatter [tilespmem:s15], [sflag:$0x2], $0x14000, $0x38;
	[tilespmem:$0x17B10] =	vst v63  }
0x24: {  	_ =	swait.ge [sflag:s10], $0x14000  }
0x25: {  	[sflag:s10] =	ssyncset.done $0x0  }
0x26: {  	[sflag:s10] =	ssyncadd.s32 $0xFFFEC000  }
0x27: {  	[tilespmem:s16], [sflag:$0x2] =	stream.linear.gather [hbm4b:s7+s16], $0x1400, $0x38;
	[tilespmem:$0x17B10] =	vst v63  }
0x28: {  	_ =	swait.ge [sflag:s10], $0x1400  }
0x29: {  	s18 =	simm.s32 $0x0;
	[sflag:s10] =	ssyncset.done $0x0  }
0x2a: {  	s17 =	simm.s32 $0x1C00;
	s16 =	simm.s32 $0x200;
	[sflag:s10] =	ssyncadd.s32 $0xFFFFEC00  }
.LBB2_4:
0x2b: {  	[tilespmem:s15], [sflag:$0x1] =	stream.indirect.gather [spmem:s2], $0x10, s18, s11, $0xb8;
	[tilespmem:$0x17B10] =	vst v63  }
0x2c: {  	s18 =	smov.u32 s16;
	s15 =	smov.u32 s17;
	p1 =	sne.s32 s16, $0x4E00  }
.Ltmp1:
0x2d: {  	s16 =	sadd.s32 $0x200, s16;
	(pc) =	sbr.rel @p1 .LBB2_4-.Ltmp1, $2  }
0x2e: {  	_ =	sdelay $0x2  }
0x2f: {  	s17 =	sadd.s32 $0x800, s17;
	s18 =	sshra.s32 s18, $0x2  }
0x30: {  	[tilespmem:s15], [sflag:$0x1] =	stream.indirect.gather [spmem:s2], $0x10, s18, s11, $0xb8;
	[tilespmem:$0x17B10] =	vst v63  }
0x31: {  	s14 =	sadd.s32 $0x1, s14;
	_ =	swait.ge [sflag:s12], $0x14000  }
0x32: {  	p1 =	sne.s32 s14, s4;
	[sflag:s12] =	ssyncset.done $0x0  }
.Ltmp2:
0x33: {  	[sflag:s12] =	ssyncadd.s32 $0xFFFEC000;
	(pc) =	sbr.rel @p1 .LBB2_1-.Ltmp2, $4  }
0x34: {  	[hbm4b:s8+s3] =	stream.linear.scatter [tilespmem:s13], [sflag:$0x2], $0x14000, $0x38;
	[tilespmem:$0x17B10] =	vst v63  }
0x35: {  	_ =	swait.ge [sflag:s10], $0x14000  }
0x36: {  	[sflag:s10] =	ssyncset.done $0x0  }
0x37: {  	[sflag:s10] =	ssyncadd.s32 $0xFFFEC000  }
0x38: {  	_ =	sfence.sel $0x180000  }
0x39: {  	[bflag:$0x0] =	sbarrier.arrive $0xFFFF  }
0x3a: {  	_ =	strace $0x90000047  }
0x3b: {  	s0 =	sadd.s32 @!p0 $0x100000, s0;
	[bflag:$0x2] =	sbarrier.arrive $0xFFFF  }
0x3c: {  	[sflag:s0] =	ssyncadd.tile.s32 @!p0 $0x1;
	_ =	shalt  }
.Lfunc_end2:
_tile_overlayer_lowered:
.L_overlay_start_2:
0x3d: {  	(tag) =	ssettag $0x2  }
0x3e: {  	s0 =	rddreg [dreg:$0x0];
	s2 =	stileid.u32  }
0x3f: {  	s1 =	rddreg [dreg:$0x1];
	p0 =	sne.s32 s2, $0x0  }
0x40: {  	s3 =	rddreg [dreg:$0x2];
	[bflag:$0x3] =	sbarrier.arrive $0xFFFF;
	s2 =	simm.s32 @!p0 $0x1C02  }
0x41: {  	[timem:s3], [sflag:s2] =	dma.local @!p0 [hbm:s0], s1  }
0x42: {  	s0 =	simm.s32 @!p0 $0x2  }
0x43: {  	_ =	swait.ge @!p0 [sflag:s0], s1  }
0x44: {  	s1 =	ssub.s32 @!p0 $0x0, s1;
	[sflag:s0] =	ssyncset.done @!p0 $0x0  }
0x45: {  	[sflag:s0] =	ssyncadd.s32 @!p0 s1  }
0x46: {  	[bflag:$0x3] =	sbarrier.arrive $0xFFFF  }
0x47: {  	_ =	shalt  }

</sc_bundles>
